<compile_context>
chip_gen: v7x
topology: tpu7x:2x2x1
jax: 0.10.2.dev20260603
libtpu: 0.0.44.dev20260713+nightly
codegen_flags: <defaults>
</compile_context>

<pallas_src>
import functools

import jax
import jax.numpy as jnp
from jax import lax
from jax.experimental import pallas as pl
from jax.experimental.pallas import tpu as pltpu
from jax.experimental.pallas import tpu_sc as plsc

N = 320000
D = 128
S = 10000
NC = 2
NSC = 16
NW = NC * NSC
RPW = N // NW
CH = 80
NCH = RPW // CH
NSLOT = 3
SEG_PER_TILE = S // NSC


def _sc_segment_sums(data4, ids3, zrow):
    mesh = plsc.VectorSubcoreMesh(
        core_axis_name="c", subcore_axis_name="s",
        num_cores=NC, num_subcores=NSC)

    @functools.partial(
        pl.kernel,
        out_type=(
            jax.ShapeDtypeStruct((NC, S, D), jnp.float32),
            jax.ShapeDtypeStruct((NW, S), jnp.float32),
        ),
        mesh=mesh,
        scratch_types=[
            pltpu.VMEM_SHARED((S, D), jnp.float32),
            pltpu.VMEM((NSLOT, CH, D), jnp.float32),
            pltpu.VMEM((NSLOT, CH), jnp.int32),
            pltpu.VMEM((S,), jnp.float32),
        ] + [pltpu.SemaphoreType.DMA] * (2 * NSLOT),
        compiler_params=pltpu.CompilerParams(
            needs_layout_passes=False, use_tc_tiling_on_sc=False),
    )
    def k(data_hbm, ids_hbm, zrow_hbm, sums_out, counts_out,
          acc, buf, idsb, hist, *sems):
        cid = lax.axis_index("c")
        sid = lax.axis_index("s")
        wid = sid * NC + cid
        fsem = sems[:NSLOT]
        ssem = sems[NSLOT:]

        pltpu.sync_copy(zrow_hbm, buf.at[0])
        for kk in range(8):
            z = sid * 8 + kk

            @pl.when(z < NCH)
            def _zero():
                pltpu.sync_copy(buf.at[0], acc.at[pl.ds(z * CH, CH)])

        def hzero(i, _):
            hist[pl.ds(i * 16, 16)] = jnp.zeros((16,), jnp.float32)
            return 0
        lax.fori_loop(0, S // 16, hzero, 0)

        ones = jnp.ones((16,), jnp.float32)

        def start_fetch(c, slot):
            pltpu.async_copy(data_hbm.at[wid, c], buf.at[slot], fsem[slot])
            pltpu.async_copy(ids_hbm.at[wid, c], idsb.at[slot], fsem[slot])

        def wait_fetch(slot):
            pltpu.make_async_copy(
                data_hbm.at[wid, 0], buf.at[slot], fsem[slot]).wait()
            pltpu.make_async_copy(
                ids_hbm.at[wid, 0], idsb.at[slot], fsem[slot]).wait()

        def start_scat(slot):
            pltpu.async_copy(
                buf.at[slot], acc.at[idsb.at[slot]], ssem[slot], add=True)

        def wait_scat(slot):
            pltpu.make_async_copy(
                buf.at[slot], acc.at[idsb.at[slot]], ssem[slot]).wait()

        def count(slot):
            for j in range(CH // 16):
                idx = idsb[slot, pl.ds(j * 16, 16)]
                plsc.addupdate_scatter(hist, [idx], ones)

        for c in range(NSLOT):
            start_fetch(c, c)

        plsc.subcore_barrier()

        wait_fetch(0)
        count(0)
        start_scat(0)

        def step(c, b):
            sp = (b + 2) % NSLOT
            wait_scat(sp)
            start_fetch(c + 2, sp)
            wait_fetch(b)
            count(b)
            start_scat(b)

        def body(g, _):
            c = 3 * g + 1
            for b in range(NSLOT):
                step(c + b, (1 + b) % NSLOT)
            return 0
        lax.fori_loop(0, 40, body, 0)

        step(121, 1)
        step(122, 2)
        for c in (123, 124):
            b = c % NSLOT
            wait_fetch(b)
            count(b)
            start_scat(b)
        for b in range(NSLOT):
            wait_scat(b)

        pltpu.sync_copy(hist, counts_out.at[wid])

        plsc.subcore_barrier()
        pltpu.sync_copy(
            acc.at[pl.ds(sid * SEG_PER_TILE, SEG_PER_TILE)],
            sums_out.at[cid, pl.ds(sid * SEG_PER_TILE, SEG_PER_TILE)])

    return k(data4, ids3, zrow)


TCB = 1000


def _tc_project(sums2, counts, W, b2):

    def body(sums_ref, cnt_ref, W_ref, b_ref, out_ref):
        ssum = sums_ref[0] + sums_ref[1]
        cnt = jnp.sum(cnt_ref[0], axis=0)
        mean = ssum / jnp.clip(cnt, 1.0, None)[:, None]
        out_ref[...] = (
            jnp.dot(mean, W_ref[...], preferred_element_type=jnp.float32)
            + b_ref[...])

    cnt3 = counts.reshape(NW, S // TCB, TCB).transpose(1, 0, 2)
    return pl.pallas_call(
        body,
        grid=(S // TCB,),
        in_specs=[
            pl.BlockSpec((NC, TCB, D), lambda i: (0, i, 0)),
            pl.BlockSpec((1, NW, TCB), lambda i: (i, 0, 0)),
            pl.BlockSpec((D, D), lambda i: (0, 0)),
            pl.BlockSpec((1, D), lambda i: (0, 0)),
        ],
        out_specs=pl.BlockSpec((TCB, D), lambda i: (i, 0)),
        out_shape=jax.ShapeDtypeStruct((S, D), jnp.float32),
    )(sums2, cnt3, W, b2)


def kernel(data, segment_ids, W, b):
    ids = segment_ids.astype(jnp.int32)
    data4 = data.reshape(NW, NCH, CH, D)
    ids3 = ids.reshape(NW, NCH, CH)
    zrow = jnp.zeros((CH, D), jnp.float32)
    sums2, counts = _sc_segment_sums(data4, ids3, zrow)
    return _tc_project(sums2, counts, W, b.reshape(1, D))

# --- scband reference (transcript-rebuilt; emitter-appended) ---
"""Pipeline reference for scband-vision-transformer-87729001988845 (READ-ONLY COPY).

The authoritative reference and input builder live on the scoring server;
editing this copy changes nothing except your own understanding.
"""

import jax, jax.numpy as jnp
import numpy as np

N = 320000
D = 128
NUM_SEGMENTS = 10000

def setup_inputs(seed: int = 0) -> dict:
    key = jax.random.key(seed)
    k1, k2, k3, k4 = jax.random.split(key, 4)
    data = jax.random.normal(k1, (N, D), dtype=jnp.float32)
    segment_ids = jnp.sort(jax.random.randint(k2, (N,), 0, NUM_SEGMENTS, dtype=jnp.int64))
    # learned parameters of the node encoder (linear projection applied to pooled cluster features)
    W = jax.random.normal(k3, (D, D), dtype=jnp.float32) * (1.0 / np.sqrt(D))
    b = jax.random.normal(k4, (D,), dtype=jnp.float32) * 0.01
    return {"data": data, "segment_ids": segment_ids, "W": W, "b": b}

def reference(data, segment_ids, W, b):
    # Faithful distillation of the module's forward: points belonging to clusters
    # (segments) are pooled per-cluster by the node encoder, producing one
    # feature vector per cluster, then projected.
    seg_sum = jax.ops.segment_sum(data, segment_ids, num_segments=NUM_SEGMENTS)
    counts = jax.ops.segment_sum(jnp.ones((data.shape[0],), dtype=data.dtype), segment_ids, num_segments=NUM_SEGMENTS)
    seg_mean = seg_sum / jnp.clip(counts, 1.0, None)[:, None]
    x = seg_mean @ W + b  # node_pred per cluster
    return x

if __name__ == "__main__":
    import jax
    _d = setup_inputs()
    print(jax.jit(kernel)(*tuple(_d.values())))

</pallas_src>

<mosaic_0001>
#map = affine_map<(d0, d1) -> (0, 0, 0, 0)>
#map1 = affine_map<(d0, d1) -> (0, 0, 0)>
#map2 = affine_map<(d0, d1) -> (0, 0)>
module attributes {stable_mosaic.version = 14 : i64} {
  func.func @k(%arg0: i32, %arg1: i32, %arg2: memref<32x125x80x128xf32, #tpu.memory_space<hbm>>, %arg3: memref<32x125x80xi32, #tpu.memory_space<hbm>>, %arg4: memref<80x128xf32, #tpu.memory_space<hbm>>, %arg5: memref<2x10000x128xf32, #tpu.memory_space<hbm>>, %arg6: memref<32x10000xf32, #tpu.memory_space<hbm>>, %arg7: memref<10000x128xf32, #tpu.memory_space<vmem_shared>>, %arg8: memref<3x80x128xf32, #tpu.memory_space<vmem>>, %arg9: memref<3x80xi32, #tpu.memory_space<vmem>>, %arg10: memref<10000xf32, #tpu.memory_space<vmem>>, %arg11: memref<!tpu.dma_semaphore, #tpu.memory_space<semaphore_mem>>, %arg12: memref<!tpu.dma_semaphore, #tpu.memory_space<semaphore_mem>>, %arg13: memref<!tpu.dma_semaphore, #tpu.memory_space<semaphore_mem>>, %arg14: memref<!tpu.dma_semaphore, #tpu.memory_space<semaphore_mem>>, %arg15: memref<!tpu.dma_semaphore, #tpu.memory_space<semaphore_mem>>, %arg16: memref<!tpu.dma_semaphore, #tpu.memory_space<semaphore_mem>>) attributes {dimension_semantics = [#tpu.dimension_semantics<core_parallel>, #tpu.dimension_semantics<subcore_parallel>], iteration_bounds = array<i64: 2, 16>, scalar_prefetch = 0 : i64, scratch_operands = 10 : i64, tpu.core_type = #tpu.core_type<sc_vector_subcore>, window_params = [{transform_indices = #map}, {transform_indices = #map1}, {transform_indices = #map2}, {transform_indices = #map1}, {transform_indices = #map2}]} {
    %mul3A = arith.constant 2 : i32
    %mul3A_0 = arith.muli %arg1, %mul3A : i32
    %add3A = arith.addi %mul3A_0, %arg0 : i32
    %run_scoped3A = arith.constant 0 : i32
    "tpu.region"() ({
      %run_scoped3A_626 = tpu.sem_alloc : memref<!tpu.dma_semaphore, #tpu.memory_space<semaphore_mem>>
      %dma_start3A_627 = arith.constant 0 : i32
      %dma_start3A_628 = arith.constant 0 : i32
      %dma_start3A_629 = tpu.memref_slice %arg8[%run_scoped3A, %dma_start3A_627, %dma_start3A_628] : memref<3x80x128xf32, #tpu.memory_space<vmem>> -> memref<1x80x128xf32, #tpu.memory_space<vmem>>
      %dma_start3A_630 = tpu.memref_squeeze %dma_start3A_629 : memref<1x80x128xf32, #tpu.memory_space<vmem>> -> memref<80x128xf32, #tpu.memory_space<vmem>>
      %dma_start3A_631 = arith.constant 0 : i32
      %dma_start3A_632 = arith.constant 0 : i32
      %dma_start3A_633 = tpu.memref_slice %arg8[%run_scoped3A, %dma_start3A_631, %dma_start3A_632] : memref<3x80x128xf32, #tpu.memory_space<vmem>> -> memref<1x80x128xf32, #tpu.memory_space<vmem>>
      %dma_start3A_634 = tpu.memref_squeeze %dma_start3A_633 : memref<1x80x128xf32, #tpu.memory_space<vmem>> -> memref<80x128xf32, #tpu.memory_space<vmem>>
      tpu.enqueue_dma source(%arg4 : memref<80x128xf32, #tpu.memory_space<hbm>>) target(%dma_start3A_634 : memref<80x128xf32, #tpu.memory_space<vmem>>) target_semaphore(%run_scoped3A_626 : memref<!tpu.dma_semaphore, #tpu.memory_space<semaphore_mem>>)
      %dma_wait3A_635 = arith.constant 0 : i32
      %dma_wait3A_636 = arith.constant 0 : i32
      %dma_wait3A_637 = tpu.memref_slice %arg8[%run_scoped3A, %dma_wait3A_635, %dma_wait3A_636] : memref<3x80x128xf32, #tpu.memory_space<vmem>> -> memref<1x80x128xf32, #tpu.memory_space<vmem>>
      %dma_wait3A_638 = tpu.memref_squeeze %dma_wait3A_637 : memref<1x80x128xf32, #tpu.memory_space<vmem>> -> memref<80x128xf32, #tpu.memory_space<vmem>>
      %dma_wait3A_639 = arith.constant 0 : i32
      %dma_wait3A_640 = arith.constant 0 : i32
      %dma_wait3A_641 = tpu.memref_slice %arg8[%run_scoped3A, %dma_wait3A_639, %dma_wait3A_640] : memref<3x80x128xf32, #tpu.memory_space<vmem>> -> memref<1x80x128xf32, #tpu.memory_space<vmem>>
      %dma_wait3A_642 = tpu.memref_squeeze %dma_wait3A_641 : memref<1x80x128xf32, #tpu.memory_space<vmem>> -> memref<80x128xf32, #tpu.memory_space<vmem>>
      tpu.wait_dma2 semaphore(%run_scoped3A_626 : memref<!tpu.dma_semaphore, #tpu.memory_space<semaphore_mem>>) src(%arg4 : memref<80x128xf32, #tpu.memory_space<hbm>>) dst(%dma_wait3A_642 : memref<80x128xf32, #tpu.memory_space<vmem>>)
      tpu.yield
    }) : () -> ()
    %mul3A_1 = arith.constant 8 : i32
    %mul3A_2 = arith.muli %arg1, %mul3A_1 : i32
    %add3A_3 = arith.constant 0 : i32
    %add3A_4 = arith.addi %mul3A_2, %add3A_3 : i32
    %lt3A = arith.constant 125 : i32
    %lt3A_5 = arith.cmpi slt, %add3A_4, %lt3A : i32
    %convert_element_type3A = arith.extui %lt3A_5 : i1 to i32
    %cond3A = arith.constant 0 : i32
    %cond3A_6 = arith.cmpi ne, %convert_element_type3A, %cond3A : i32
    scf.if %cond3A_6 {
      %mul3A_626 = arith.constant 80 : i32
      %mul3A_627 = arith.muli %add3A_4, %mul3A_626 : i32
      %run_scoped3A_628 = arith.constant 0 : i32
      "tpu.region"() ({
        %run_scoped3A_629 = tpu.sem_alloc : memref<!tpu.dma_semaphore, #tpu.memory_space<semaphore_mem>>
        %dma_start3A_630 = arith.constant 0 : i32
        %dma_start3A_631 = arith.constant 0 : i32
        %dma_start3A_632 = tpu.memref_slice %arg8[%run_scoped3A_628, %dma_start3A_630, %dma_start3A_631] : memref<3x80x128xf32, #tpu.memory_space<vmem>> -> memref<1x80x128xf32, #tpu.memory_space<vmem>>
        %dma_start3A_633 = tpu.memref_squeeze %dma_start3A_632 : memref<1x80x128xf32, #tpu.memory_space<vmem>> -> memref<80x128xf32, #tpu.memory_space<vmem>>
        %dma_start3A_634 = arith.constant 0 : i32
        %dma_start3A_635 = tpu.memref_slice %arg7[%mul3A_627, %dma_start3A_634] : memref<10000x128xf32, #tpu.memory_space<vmem_shared>> -> memref<80x128xf32, #tpu.memory_space<vmem_shared>>
        %dma_start3A_636 = arith.constant 0 : i32
        %dma_start3A_637 = tpu.memref_slice %arg7[%mul3A_627, %dma_start3A_636] : memref<10000x128xf32, #tpu.memory_space<vmem_shared>> -> memref<80x128xf32, #tpu.memory_space<vmem_shared>>
        %dma_start3A_638 = arith.constant 0 : i32
        %dma_start3A_639 = arith.constant 0 : i32
        %dma_start3A_640 = tpu.memref_slice %arg8[%run_scoped3A_628, %dma_start3A_638, %dma_start3A_639] : memref<3x80x128xf32, #tpu.memory_space<vmem>> -> memref<1x80x128xf32, #tpu.memory_space<vmem>>
        %dma_start3A_641 = tpu.memref_squeeze %dma_start3A_640 : memref<1x80x128xf32, #tpu.memory_space<vmem>> -> memref<80x128xf32, #tpu.memory_space<vmem>>
        tpu.enqueue_dma source(%dma_start3A_641 : memref<80x128xf32, #tpu.memory_space<vmem>>) target(%dma_start3A_637 : memref<80x128xf32, #tpu.memory_space<vmem_shared>>) target_semaphore(%run_scoped3A_629 : memref<!tpu.dma_semaphore, #tpu.memory_space<semaphore_mem>>)
        %dma_wait3A_642 = arith.constant 0 : i32
        %dma_wait3A_643 = arith.constant 0 : i32
        %dma_wait3A_644 = tpu.memref_slice %arg8[%run_scoped3A_628, %dma_wait3A_642, %dma_wait3A_643] : memref<3x80x128xf32, #tpu.memory_space<vmem>> -> memref<1x80x128xf32, #tpu.memory_space<vmem>>
        %dma_wait3A_645 = tpu.memref_squeeze %dma_wait3A_644 : memref<1x80x128xf32, #tpu.memory_space<vmem>> -> memref<80x128xf32, #tpu.memory_space<vmem>>
        %dma_wait3A_646 = arith.constant 0 : i32
        %dma_wait3A_647 = tpu.memref_slice %arg7[%mul3A_627, %dma_wait3A_646] : memref<10000x128xf32, #tpu.memory_space<vmem_shared>> -> memref<80x128xf32, #tpu.memory_space<vmem_shared>>
        %dma_wait3A_648 = arith.constant 0 : i32
        %dma_wait3A_649 = tpu.memref_slice %arg7[%mul3A_627, %dma_wait3A_648] : memref<10000x128xf32, #tpu.memory_space<vmem_shared>> -> memref<80x128xf32, #tpu.memory_space<vmem_shared>>
        %dma_wait3A_650 = arith.constant 0 : i32
        %dma_wait3A_651 = arith.constant 0 : i32
        %dma_wait3A_652 = tpu.memref_slice %arg8[%run_scoped3A_628, %dma_wait3A_650, %dma_wait3A_651] : memref<3x80x128xf32, #tpu.memory_space<vmem>> -> memref<1x80x128xf32, #tpu.memory_space<vmem>>
        %dma_wait3A_653 = tpu.memref_squeeze %dma_wait3A_652 : memref<1x80x128xf32, #tpu.memory_space<vmem>> -> memref<80x128xf32, #tpu.memory_space<vmem>>
        tpu.wait_dma2 semaphore(%run_scoped3A_629 : memref<!tpu.dma_semaphore, #tpu.memory_space<semaphore_mem>>) src(%dma_wait3A_653 : memref<80x128xf32, #tpu.memory_space<vmem>>) dst(%dma_wait3A_649 : memref<80x128xf32, #tpu.memory_space<vmem_shared>>)
        tpu.yield
      }) : () -> ()
    } else {
    }
    %mul3A_7 = arith.constant 8 : i32
    %mul3A_8 = arith.muli %arg1, %mul3A_7 : i32
    %add3A_9 = arith.constant 1 : i32
    %add3A_10 = arith.addi %mul3A_8, %add3A_9 : i32
    %lt3A_11 = arith.constant 125 : i32
    %lt3A_12 = arith.cmpi slt, %add3A_10, %lt3A_11 : i32
    %convert_element_type3A_13 = arith.extui %lt3A_12 : i1 to i32
    %cond3A_14 = arith.constant 0 : i32
    %cond3A_15 = arith.cmpi ne, %convert_element_type3A_13, %cond3A_14 : i32
    scf.if %cond3A_15 {
      %mul3A_626 = arith.constant 80 : i32
      %mul3A_627 = arith.muli %add3A_10, %mul3A_626 : i32
      %run_scoped3A_628 = arith.constant 0 : i32
      "tpu.region"() ({
        %run_scoped3A_629 = tpu.sem_alloc : memref<!tpu.dma_semaphore, #tpu.memory_space<semaphore_mem>>
        %dma_start3A_630 = arith.constant 0 : i32
        %dma_start3A_631 = arith.constant 0 : i32
        %dma_start3A_632 = tpu.memref_slice %arg8[%run_scoped3A_628, %dma_start3A_630, %dma_start3A_631] : memref<3x80x128xf32, #tpu.memory_space<vmem>> -> memref<1x80x128xf32, #tpu.memory_space<vmem>>
        %dma_start3A_633 = tpu.memref_squeeze %dma_start3A_632 : memref<1x80x128xf32, #tpu.memory_space<vmem>> -> memref<80x128xf32, #tpu.memory_space<vmem>>
        %dma_start3A_634 = arith.constant 0 : i32
        %dma_start3A_635 = tpu.memref_slice %arg7[%mul3A_627, %dma_start3A_634] : memref<10000x128xf32, #tpu.memory_space<vmem_shared>> -> memref<80x128xf32, #tpu.memory_space<vmem_shared>>
        %dma_start3A_636 = arith.constant 0 : i32
        %dma_start3A_637 = tpu.memref_slice %arg7[%mul3A_627, %dma_start3A_636] : memref<10000x128xf32, #tpu.memory_space<vmem_shared>> -> memref<80x128xf32, #tpu.memory_space<vmem_shared>>
        %dma_start3A_638 = arith.constant 0 : i32
        %dma_start3A_639 = arith.constant 0 : i32
        %dma_start3A_640 = tpu.memref_slice %arg8[%run_scoped3A_628, %dma_start3A_638, %dma_start3A_639] : memref<3x80x128xf32, #tpu.memory_space<vmem>> -> memref<1x80x128xf32, #tpu.memory_space<vmem>>
        %dma_start3A_641 = tpu.memref_squeeze %dma_start3A_640 : memref<1x80x128xf32, #tpu.memory_space<vmem>> -> memref<80x128xf32, #tpu.memory_space<vmem>>
        tpu.enqueue_dma source(%dma_start3A_641 : memref<80x128xf32, #tpu.memory_space<vmem>>) target(%dma_start3A_637 : memref<80x128xf32, #tpu.memory_space<vmem_shared>>) target_semaphore(%run_scoped3A_629 : memref<!tpu.dma_semaphore, #tpu.memory_space<semaphore_mem>>)
        %dma_wait3A_642 = arith.constant 0 : i32
        %dma_wait3A_643 = arith.constant 0 : i32
        %dma_wait3A_644 = tpu.memref_slice %arg8[%run_scoped3A_628, %dma_wait3A_642, %dma_wait3A_643] : memref<3x80x128xf32, #tpu.memory_space<vmem>> -> memref<1x80x128xf32, #tpu.memory_space<vmem>>
        %dma_wait3A_645 = tpu.memref_squeeze %dma_wait3A_644 : memref<1x80x128xf32, #tpu.memory_space<vmem>> -> memref<80x128xf32, #tpu.memory_space<vmem>>
        %dma_wait3A_646 = arith.constant 0 : i32
        %dma_wait3A_647 = tpu.memref_slice %arg7[%mul3A_627, %dma_wait3A_646] : memref<10000x128xf32, #tpu.memory_space<vmem_shared>> -> memref<80x128xf32, #tpu.memory_space<vmem_shared>>
        %dma_wait3A_648 = arith.constant 0 : i32
        %dma_wait3A_649 = tpu.memref_slice %arg7[%mul3A_627, %dma_wait3A_648] : memref<10000x128xf32, #tpu.memory_space<vmem_shared>> -> memref<80x128xf32, #tpu.memory_space<vmem_shared>>
        %dma_wait3A_650 = arith.constant 0 : i32
        %dma_wait3A_651 = arith.constant 0 : i32
        %dma_wait3A_652 = tpu.memref_slice %arg8[%run_scoped3A_628, %dma_wait3A_650, %dma_wait3A_651] : memref<3x80x128xf32, #tpu.memory_space<vmem>> -> memref<1x80x128xf32, #tpu.memory_space<vmem>>
        %dma_wait3A_653 = tpu.memref_squeeze %dma_wait3A_652 : memref<1x80x128xf32, #tpu.memory_space<vmem>> -> memref<80x128xf32, #tpu.memory_space<vmem>>
        tpu.wait_dma2 semaphore(%run_scoped3A_629 : memref<!tpu.dma_semaphore, #tpu.memory_space<semaphore_mem>>) src(%dma_wait3A_653 : memref<80x128xf32, #tpu.memory_space<vmem>>) dst(%dma_wait3A_649 : memref<80x128xf32, #tpu.memory_space<vmem_shared>>)
        tpu.yield
      }) : () -> ()
    } else {
    }
    %mul3A_16 = arith.constant 8 : i32
    %mul3A_17 = arith.muli %arg1, %mul3A_16 : i32
    %add3A_18 = arith.constant 2 : i32
    %add3A_19 = arith.addi %mul3A_17, %add3A_18 : i32
    %lt3A_20 = arith.constant 125 : i32
    %lt3A_21 = arith.cmpi slt, %add3A_19, %lt3A_20 : i32
    %convert_element_type3A_22 = arith.extui %lt3A_21 : i1 to i32
    %cond3A_23 = arith.constant 0 : i32
    %cond3A_24 = arith.cmpi ne, %convert_element_type3A_22, %cond3A_23 : i32
    scf.if %cond3A_24 {
      %mul3A_626 = arith.constant 80 : i32
      %mul3A_627 = arith.muli %add3A_19, %mul3A_626 : i32
      %run_scoped3A_628 = arith.constant 0 : i32
      "tpu.region"() ({
        %run_scoped3A_629 = tpu.sem_alloc : memref<!tpu.dma_semaphore, #tpu.memory_space<semaphore_mem>>
        %dma_start3A_630 = arith.constant 0 : i32
        %dma_start3A_631 = arith.constant 0 : i32
        %dma_start3A_632 = tpu.memref_slice %arg8[%run_scoped3A_628, %dma_start3A_630, %dma_start3A_631] : memref<3x80x128xf32, #tpu.memory_space<vmem>> -> memref<1x80x128xf32, #tpu.memory_space<vmem>>
        %dma_start3A_633 = tpu.memref_squeeze %dma_start3A_632 : memref<1x80x128xf32, #tpu.memory_space<vmem>> -> memref<80x128xf32, #tpu.memory_space<vmem>>
        %dma_start3A_634 = arith.constant 0 : i32
        %dma_start3A_635 = tpu.memref_slice %arg7[%mul3A_627, %dma_start3A_634] : memref<10000x128xf32, #tpu.memory_space<vmem_shared>> -> memref<80x128xf32, #tpu.memory_space<vmem_shared>>
        %dma_start3A_636 = arith.constant 0 : i32
        %dma_start3A_637 = tpu.memref_slice %arg7[%mul3A_627, %dma_start3A_636] : memref<10000x128xf32, #tpu.memory_space<vmem_shared>> -> memref<80x128xf32, #tpu.memory_space<vmem_shared>>
        %dma_start3A_638 = arith.constant 0 : i32
        %dma_start3A_639 = arith.constant 0 : i32
        %dma_start3A_640 = tpu.memref_slice %arg8[%run_scoped3A_628, %dma_start3A_638, %dma_start3A_639] : memref<3x80x128xf32, #tpu.memory_space<vmem>> -> memref<1x80x128xf32, #tpu.memory_space<vmem>>
        %dma_start3A_641 = tpu.memref_squeeze %dma_start3A_640 : memref<1x80x128xf32, #tpu.memory_space<vmem>> -> memref<80x128xf32, #tpu.memory_space<vmem>>
        tpu.enqueue_dma source(%dma_start3A_641 : memref<80x128xf32, #tpu.memory_space<vmem>>) target(%dma_start3A_637 : memref<80x128xf32, #tpu.memory_space<vmem_shared>>) target_semaphore(%run_scoped3A_629 : memref<!tpu.dma_semaphore, #tpu.memory_space<semaphore_mem>>)
        %dma_wait3A_642 = arith.constant 0 : i32
        %dma_wait3A_643 = arith.constant 0 : i32
        %dma_wait3A_644 = tpu.memref_slice %arg8[%run_scoped3A_628, %dma_wait3A_642, %dma_wait3A_643] : memref<3x80x128xf32, #tpu.memory_space<vmem>> -> memref<1x80x128xf32, #tpu.memory_space<vmem>>
        %dma_wait3A_645 = tpu.memref_squeeze %dma_wait3A_644 : memref<1x80x128xf32, #tpu.memory_space<vmem>> -> memref<80x128xf32, #tpu.memory_space<vmem>>
        %dma_wait3A_646 = arith.constant 0 : i32
        %dma_wait3A_647 = tpu.memref_slice %arg7[%mul3A_627, %dma_wait3A_646] : memref<10000x128xf32, #tpu.memory_space<vmem_shared>> -> memref<80x128xf32, #tpu.memory_space<vmem_shared>>
        %dma_wait3A_648 = arith.constant 0 : i32
        %dma_wait3A_649 = tpu.memref_slice %arg7[%mul3A_627, %dma_wait3A_648] : memref<10000x128xf32, #tpu.memory_space<vmem_shared>> -> memref<80x128xf32, #tpu.memory_space<vmem_shared>>
        %dma_wait3A_650 = arith.constant 0 : i32
        %dma_wait3A_651 = arith.constant 0 : i32
        %dma_wait3A_652 = tpu.memref_slice %arg8[%run_scoped3A_628, %dma_wait3A_650, %dma_wait3A_651] : memref<3x80x128xf32, #tpu.memory_space<vmem>> -> memref<1x80x128xf32, #tpu.memory_space<vmem>>
        %dma_wait3A_653 = tpu.memref_squeeze %dma_wait3A_652 : memref<1x80x128xf32, #tpu.memory_space<vmem>> -> memref<80x128xf32, #tpu.memory_space<vmem>>
        tpu.wait_dma2 semaphore(%run_scoped3A_629 : memref<!tpu.dma_semaphore, #tpu.memory_space<semaphore_mem>>) src(%dma_wait3A_653 : memref<80x128xf32, #tpu.memory_space<vmem>>) dst(%dma_wait3A_649 : memref<80x128xf32, #tpu.memory_space<vmem_shared>>)
        tpu.yield
      }) : () -> ()
    } else {
    }
    %mul3A_25 = arith.constant 8 : i32
    %mul3A_26 = arith.muli %arg1, %mul3A_25 : i32
    %add3A_27 = arith.constant 3 : i32
    %add3A_28 = arith.addi %mul3A_26, %add3A_27 : i32
    %lt3A_29 = arith.constant 125 : i32
    %lt3A_30 = arith.cmpi slt, %add3A_28, %lt3A_29 : i32
    %convert_element_type3A_31 = arith.extui %lt3A_30 : i1 to i32
    %cond3A_32 = arith.constant 0 : i32
    %cond3A_33 = arith.cmpi ne, %convert_element_type3A_31, %cond3A_32 : i32
    scf.if %cond3A_33 {
      %mul3A_626 = arith.constant 80 : i32
      %mul3A_627 = arith.muli %add3A_28, %mul3A_626 : i32
      %run_scoped3A_628 = arith.constant 0 : i32
      "tpu.region"() ({
        %run_scoped3A_629 = tpu.sem_alloc : memref<!tpu.dma_semaphore, #tpu.memory_space<semaphore_mem>>
        %dma_start3A_630 = arith.constant 0 : i32
        %dma_start3A_631 = arith.constant 0 : i32
        %dma_start3A_632 = tpu.memref_slice %arg8[%run_scoped3A_628, %dma_start3A_630, %dma_start3A_631] : memref<3x80x128xf32, #tpu.memory_space<vmem>> -> memref<1x80x128xf32, #tpu.memory_space<vmem>>
        %dma_start3A_633 = tpu.memref_squeeze %dma_start3A_632 : memref<1x80x128xf32, #tpu.memory_space<vmem>> -> memref<80x128xf32, #tpu.memory_space<vmem>>
        %dma_start3A_634 = arith.constant 0 : i32
        %dma_start3A_635 = tpu.memref_slice %arg7[%mul3A_627, %dma_start3A_634] : memref<10000x128xf32, #tpu.memory_space<vmem_shared>> -> memref<80x128xf32, #tpu.memory_space<vmem_shared>>
        %dma_start3A_636 = arith.constant 0 : i32
        %dma_start3A_637 = tpu.memref_slice %arg7[%mul3A_627, %dma_start3A_636] : memref<10000x128xf32, #tpu.memory_space<vmem_shared>> -> memref<80x128xf32, #tpu.memory_space<vmem_shared>>
        %dma_start3A_638 = arith.constant 0 : i32
        %dma_start3A_639 = arith.constant 0 : i32
        %dma_start3A_640 = tpu.memref_slice %arg8[%run_scoped3A_628, %dma_start3A_638, %dma_start3A_639] : memref<3x80x128xf32, #tpu.memory_space<vmem>> -> memref<1x80x128xf32, #tpu.memory_space<vmem>>
        %dma_start3A_641 = tpu.memref_squeeze %dma_start3A_640 : memref<1x80x128xf32, #tpu.memory_space<vmem>> -> memref<80x128xf32, #tpu.memory_space<vmem>>
        tpu.enqueue_dma source(%dma_start3A_641 : memref<80x128xf32, #tpu.memory_space<vmem>>) target(%dma_start3A_637 : memref<80x128xf32, #tpu.memory_space<vmem_shared>>) target_semaphore(%run_scoped3A_629 : memref<!tpu.dma_semaphore, #tpu.memory_space<semaphore_mem>>)
        %dma_wait3A_642 = arith.constant 0 : i32
        %dma_wait3A_643 = arith.constant 0 : i32
        %dma_wait3A_644 = tpu.memref_slice %arg8[%run_scoped3A_628, %dma_wait3A_642, %dma_wait3A_643] : memref<3x80x128xf32, #tpu.memory_space<vmem>> -> memref<1x80x128xf32, #tpu.memory_space<vmem>>
        %dma_wait3A_645 = tpu.memref_squeeze %dma_wait3A_644 : memref<1x80x128xf32, #tpu.memory_space<vmem>> -> memref<80x128xf32, #tpu.memory_space<vmem>>
        %dma_wait3A_646 = arith.constant 0 : i32
        %dma_wait3A_647 = tpu.memref_slice %arg7[%mul3A_627, %dma_wait3A_646] : memref<10000x128xf32, #tpu.memory_space<vmem_shared>> -> memref<80x128xf32, #tpu.memory_space<vmem_shared>>
        %dma_wait3A_648 = arith.constant 0 : i32
        %dma_wait3A_649 = tpu.memref_slice %arg7[%mul3A_627, %dma_wait3A_648] : memref<10000x128xf32, #tpu.memory_space<vmem_shared>> -> memref<80x128xf32, #tpu.memory_space<vmem_shared>>
        %dma_wait3A_650 = arith.constant 0 : i32
        %dma_wait3A_651 = arith.constant 0 : i32
        %dma_wait3A_652 = tpu.memref_slice %arg8[%run_scoped3A_628, %dma_wait3A_650, %dma_wait3A_651] : memref<3x80x128xf32, #tpu.memory_space<vmem>> -> memref<1x80x128xf32, #tpu.memory_space<vmem>>
        %dma_wait3A_653 = tpu.memref_squeeze %dma_wait3A_652 : memref<1x80x128xf32, #tpu.memory_space<vmem>> -> memref<80x128xf32, #tpu.memory_space<vmem>>
        tpu.wait_dma2 semaphore(%run_scoped3A_629 : memref<!tpu.dma_semaphore, #tpu.memory_space<semaphore_mem>>) src(%dma_wait3A_653 : memref<80x128xf32, #tpu.memory_space<vmem>>) dst(%dma_wait3A_649 : memref<80x128xf32, #tpu.memory_space<vmem_shared>>)
        tpu.yield
      }) : () -> ()
    } else {
    }
    %mul3A_34 = arith.constant 8 : i32
    %mul3A_35 = arith.muli %arg1, %mul3A_34 : i32
    %add3A_36 = arith.constant 4 : i32
    %add3A_37 = arith.addi %mul3A_35, %add3A_36 : i32
    %lt3A_38 = arith.constant 125 : i32
    %lt3A_39 = arith.cmpi slt, %add3A_37, %lt3A_38 : i32
    %convert_element_type3A_40 = arith.extui %lt3A_39 : i1 to i32
    %cond3A_41 = arith.constant 0 : i32
    %cond3A_42 = arith.cmpi ne, %convert_element_type3A_40, %cond3A_41 : i32
    scf.if %cond3A_42 {
      %mul3A_626 = arith.constant 80 : i32
      %mul3A_627 = arith.muli %add3A_37, %mul3A_626 : i32
      %run_scoped3A_628 = arith.constant 0 : i32
      "tpu.region"() ({
        %run_scoped3A_629 = tpu.sem_alloc : memref<!tpu.dma_semaphore, #tpu.memory_space<semaphore_mem>>
        %dma_start3A_630 = arith.constant 0 : i32
        %dma_start3A_631 = arith.constant 0 : i32
        %dma_start3A_632 = tpu.memref_slice %arg8[%run_scoped3A_628, %dma_start3A_630, %dma_start3A_631] : memref<3x80x128xf32, #tpu.memory_space<vmem>> -> memref<1x80x128xf32, #tpu.memory_space<vmem>>
        %dma_start3A_633 = tpu.memref_squeeze %dma_start3A_632 : memref<1x80x128xf32, #tpu.memory_space<vmem>> -> memref<80x128xf32, #tpu.memory_space<vmem>>
        %dma_start3A_634 = arith.constant 0 : i32
        %dma_start3A_635 = tpu.memref_slice %arg7[%mul3A_627, %dma_start3A_634] : memref<10000x128xf32, #tpu.memory_space<vmem_shared>> -> memref<80x128xf32, #tpu.memory_space<vmem_shared>>
        %dma_start3A_636 = arith.constant 0 : i32
        %dma_start3A_637 = tpu.memref_slice %arg7[%mul3A_627, %dma_start3A_636] : memref<10000x128xf32, #tpu.memory_space<vmem_shared>> -> memref<80x128xf32, #tpu.memory_space<vmem_shared>>
        %dma_start3A_638 = arith.constant 0 : i32
        %dma_start3A_639 = arith.constant 0 : i32
        %dma_start3A_640 = tpu.memref_slice %arg8[%run_scoped3A_628, %dma_start3A_638, %dma_start3A_639] : memref<3x80x128xf32, #tpu.memory_space<vmem>> -> memref<1x80x128xf32, #tpu.memory_space<vmem>>
        %dma_start3A_641 = tpu.memref_squeeze %dma_start3A_640 : memref<1x80x128xf32, #tpu.memory_space<vmem>> -> memref<80x128xf32, #tpu.memory_space<vmem>>
        tpu.enqueue_dma source(%dma_start3A_641 : memref<80x128xf32, #tpu.memory_space<vmem>>) target(%dma_start3A_637 : memref<80x128xf32, #tpu.memory_space<vmem_shared>>) target_semaphore(%run_scoped3A_629 : memref<!tpu.dma_semaphore, #tpu.memory_space<semaphore_mem>>)
        %dma_wait3A_642 = arith.constant 0 : i32
        %dma_wait3A_643 = arith.constant 0 : i32
        %dma_wait3A_644 = tpu.memref_slice %arg8[%run_scoped3A_628, %dma_wait3A_642, %dma_wait3A_643] : memref<3x80x128xf32, #tpu.memory_space<vmem>> -> memref<1x80x128xf32, #tpu.memory_space<vmem>>
        %dma_wait3A_645 = tpu.memref_squeeze %dma_wait3A_644 : memref<1x80x128xf32, #tpu.memory_space<vmem>> -> memref<80x128xf32, #tpu.memory_space<vmem>>
        %dma_wait3A_646 = arith.constant 0 : i32
        %dma_wait3A_647 = tpu.memref_slice %arg7[%mul3A_627, %dma_wait3A_646] : memref<10000x128xf32, #tpu.memory_space<vmem_shared>> -> memref<80x128xf32, #tpu.memory_space<vmem_shared>>
        %dma_wait3A_648 = arith.constant 0 : i32
        %dma_wait3A_649 = tpu.memref_slice %arg7[%mul3A_627, %dma_wait3A_648] : memref<10000x128xf32, #tpu.memory_space<vmem_shared>> -> memref<80x128xf32, #tpu.memory_space<vmem_shared>>
        %dma_wait3A_650 = arith.constant 0 : i32
        %dma_wait3A_651 = arith.constant 0 : i32
        %dma_wait3A_652 = tpu.memref_slice %arg8[%run_scoped3A_628, %dma_wait3A_650, %dma_wait3A_651] : memref<3x80x128xf32, #tpu.memory_space<vmem>> -> memref<1x80x128xf32, #tpu.memory_space<vmem>>
        %dma_wait3A_653 = tpu.memref_squeeze %dma_wait3A_652 : memref<1x80x128xf32, #tpu.memory_space<vmem>> -> memref<80x128xf32, #tpu.memory_space<vmem>>
        tpu.wait_dma2 semaphore(%run_scoped3A_629 : memref<!tpu.dma_semaphore, #tpu.memory_space<semaphore_mem>>) src(%dma_wait3A_653 : memref<80x128xf32, #tpu.memory_space<vmem>>) dst(%dma_wait3A_649 : memref<80x128xf32, #tpu.memory_space<vmem_shared>>)
        tpu.yield
      }) : () -> ()
    } else {
    }
    %mul3A_43 = arith.constant 8 : i32
    %mul3A_44 = arith.muli %arg1, %mul3A_43 : i32
    %add3A_45 = arith.constant 5 : i32
    %add3A_46 = arith.addi %mul3A_44, %add3A_45 : i32
    %lt3A_47 = arith.constant 125 : i32
    %lt3A_48 = arith.cmpi slt, %add3A_46, %lt3A_47 : i32
    %convert_element_type3A_49 = arith.extui %lt3A_48 : i1 to i32
    %cond3A_50 = arith.constant 0 : i32
    %cond3A_51 = arith.cmpi ne, %convert_element_type3A_49, %cond3A_50 : i32
    scf.if %cond3A_51 {
      %mul3A_626 = arith.constant 80 : i32
      %mul3A_627 = arith.muli %add3A_46, %mul3A_626 : i32
      %run_scoped3A_628 = arith.constant 0 : i32
      "tpu.region"() ({
        %run_scoped3A_629 = tpu.sem_alloc : memref<!tpu.dma_semaphore, #tpu.memory_space<semaphore_mem>>
        %dma_start3A_630 = arith.constant 0 : i32
        %dma_start3A_631 = arith.constant 0 : i32
        %dma_start3A_632 = tpu.memref_slice %arg8[%run_scoped3A_628, %dma_start3A_630, %dma_start3A_631] : memref<3x80x128xf32, #tpu.memory_space<vmem>> -> memref<1x80x128xf32, #tpu.memory_space<vmem>>
        %dma_start3A_633 = tpu.memref_squeeze %dma_start3A_632 : memref<1x80x128xf32, #tpu.memory_space<vmem>> -> memref<80x128xf32, #tpu.memory_space<vmem>>
        %dma_start3A_634 = arith.constant 0 : i32
        %dma_start3A_635 = tpu.memref_slice %arg7[%mul3A_627, %dma_start3A_634] : memref<10000x128xf32, #tpu.memory_space<vmem_shared>> -> memref<80x128xf32, #tpu.memory_space<vmem_shared>>
        %dma_start3A_636 = arith.constant 0 : i32
        %dma_start3A_637 = tpu.memref_slice %arg7[%mul3A_627, %dma_start3A_636] : memref<10000x128xf32, #tpu.memory_space<vmem_shared>> -> memref<80x128xf32, #tpu.memory_space<vmem_shared>>
        %dma_start3A_638 = arith.constant 0 : i32
        %dma_start3A_639 = arith.constant 0 : i32
        %dma_start3A_640 = tpu.memref_slice %arg8[%run_scoped3A_628, %dma_start3A_638, %dma_start3A_639] : memref<3x80x128xf32, #tpu.memory_space<vmem>> -> memref<1x80x128xf32, #tpu.memory_space<vmem>>
        %dma_start3A_641 = tpu.memref_squeeze %dma_start3A_640 : memref<1x80x128xf32, #tpu.memory_space<vmem>> -> memref<80x128xf32, #tpu.memory_space<vmem>>
        tpu.enqueue_dma source(%dma_start3A_641 : memref<80x128xf32, #tpu.memory_space<vmem>>) target(%dma_start3A_637 : memref<80x128xf32, #tpu.memory_space<vmem_shared>>) target_semaphore(%run_scoped3A_629 : memref<!tpu.dma_semaphore, #tpu.memory_space<semaphore_mem>>)
        %dma_wait3A_642 = arith.constant 0 : i32
        %dma_wait3A_643 = arith.constant 0 : i32
        %dma_wait3A_644 = tpu.memref_slice %arg8[%run_scoped3A_628, %dma_wait3A_642, %dma_wait3A_643] : memref<3x80x128xf32, #tpu.memory_space<vmem>> -> memref<1x80x128xf32, #tpu.memory_space<vmem>>
        %dma_wait3A_645 = tpu.memref_squeeze %dma_wait3A_644 : memref<1x80x128xf32, #tpu.memory_space<vmem>> -> memref<80x128xf32, #tpu.memory_space<vmem>>
        %dma_wait3A_646 = arith.constant 0 : i32
        %dma_wait3A_647 = tpu.memref_slice %arg7[%mul3A_627, %dma_wait3A_646] : memref<10000x128xf32, #tpu.memory_space<vmem_shared>> -> memref<80x128xf32, #tpu.memory_space<vmem_shared>>
        %dma_wait3A_648 = arith.constant 0 : i32
        %dma_wait3A_649 = tpu.memref_slice %arg7[%mul3A_627, %dma_wait3A_648] : memref<10000x128xf32, #tpu.memory_space<vmem_shared>> -> memref<80x128xf32, #tpu.memory_space<vmem_shared>>
        %dma_wait3A_650 = arith.constant 0 : i32
        %dma_wait3A_651 = arith.constant 0 : i32
        %dma_wait3A_652 = tpu.memref_slice %arg8[%run_scoped3A_628, %dma_wait3A_650, %dma_wait3A_651] : memref<3x80x128xf32, #tpu.memory_space<vmem>> -> memref<1x80x128xf32, #tpu.memory_space<vmem>>
        %dma_wait3A_653 = tpu.memref_squeeze %dma_wait3A_652 : memref<1x80x128xf32, #tpu.memory_space<vmem>> -> memref<80x128xf32, #tpu.memory_space<vmem>>
        tpu.wait_dma2 semaphore(%run_scoped3A_629 : memref<!tpu.dma_semaphore, #tpu.memory_space<semaphore_mem>>) src(%dma_wait3A_653 : memref<80x128xf32, #tpu.memory_space<vmem>>) dst(%dma_wait3A_649 : memref<80x128xf32, #tpu.memory_space<vmem_shared>>)
        tpu.yield
      }) : () -> ()
    } else {
    }
    %mul3A_52 = arith.constant 8 : i32
    %mul3A_53 = arith.muli %arg1, %mul3A_52 : i32
    %add3A_54 = arith.constant 6 : i32
    %add3A_55 = arith.addi %mul3A_53, %add3A_54 : i32
    %lt3A_56 = arith.constant 125 : i32
    %lt3A_57 = arith.cmpi slt, %add3A_55, %lt3A_56 : i32
    %convert_element_type3A_58 = arith.extui %lt3A_57 : i1 to i32
    %cond3A_59 = arith.constant 0 : i32
    %cond3A_60 = arith.cmpi ne, %convert_element_type3A_58, %cond3A_59 : i32
    scf.if %cond3A_60 {
      %mul3A_626 = arith.constant 80 : i32
      %mul3A_627 = arith.muli %add3A_55, %mul3A_626 : i32
      %run_scoped3A_628 = arith.constant 0 : i32
      "tpu.region"() ({
        %run_scoped3A_629 = tpu.sem_alloc : memref<!tpu.dma_semaphore, #tpu.memory_space<semaphore_mem>>
        %dma_start3A_630 = arith.constant 0 : i32
        %dma_start3A_631 = arith.constant 0 : i32
        %dma_start3A_632 = tpu.memref_slice %arg8[%run_scoped3A_628, %dma_start3A_630, %dma_start3A_631] : memref<3x80x128xf32, #tpu.memory_space<vmem>> -> memref<1x80x128xf32, #tpu.memory_space<vmem>>
        %dma_start3A_633 = tpu.memref_squeeze %dma_start3A_632 : memref<1x80x128xf32, #tpu.memory_space<vmem>> -> memref<80x128xf32, #tpu.memory_space<vmem>>
        %dma_start3A_634 = arith.constant 0 : i32
        %dma_start3A_635 = tpu.memref_slice %arg7[%mul3A_627, %dma_start3A_634] : memref<10000x128xf32, #tpu.memory_space<vmem_shared>> -> memref<80x128xf32, #tpu.memory_space<vmem_shared>>
        %dma_start3A_636 = arith.constant 0 : i32
        %dma_start3A_637 = tpu.memref_slice %arg7[%mul3A_627, %dma_start3A_636] : memref<10000x128xf32, #tpu.memory_space<vmem_shared>> -> memref<80x128xf32, #tpu.memory_space<vmem_shared>>
        %dma_start3A_638 = arith.constant 0 : i32
        %dma_start3A_639 = arith.constant 0 : i32
        %dma_start3A_640 = tpu.memref_slice %arg8[%run_scoped3A_628, %dma_start3A_638, %dma_start3A_639] : memref<3x80x128xf32, #tpu.memory_space<vmem>> -> memref<1x80x128xf32, #tpu.memory_space<vmem>>
        %dma_start3A_641 = tpu.memref_squeeze %dma_start3A_640 : memref<1x80x128xf32, #tpu.memory_space<vmem>> -> memref<80x128xf32, #tpu.memory_space<vmem>>
        tpu.enqueue_dma source(%dma_start3A_641 : memref<80x128xf32, #tpu.memory_space<vmem>>) target(%dma_start3A_637 : memref<80x128xf32, #tpu.memory_space<vmem_shared>>) target_semaphore(%run_scoped3A_629 : memref<!tpu.dma_semaphore, #tpu.memory_space<semaphore_mem>>)
        %dma_wait3A_642 = arith.constant 0 : i32
        %dma_wait3A_643 = arith.constant 0 : i32
        %dma_wait3A_644 = tpu.memref_slice %arg8[%run_scoped3A_628, %dma_wait3A_642, %dma_wait3A_643] : memref<3x80x128xf32, #tpu.memory_space<vmem>> -> memref<1x80x128xf32, #tpu.memory_space<vmem>>
        %dma_wait3A_645 = tpu.memref_squeeze %dma_wait3A_644 : memref<1x80x128xf32, #tpu.memory_space<vmem>> -> memref<80x128xf32, #tpu.memory_space<vmem>>
        %dma_wait3A_646 = arith.constant 0 : i32
        %dma_wait3A_647 = tpu.memref_slice %arg7[%mul3A_627, %dma_wait3A_646] : memref<10000x128xf32, #tpu.memory_space<vmem_shared>> -> memref<80x128xf32, #tpu.memory_space<vmem_shared>>
        %dma_wait3A_648 = arith.constant 0 : i32
        %dma_wait3A_649 = tpu.memref_slice %arg7[%mul3A_627, %dma_wait3A_648] : memref<10000x128xf32, #tpu.memory_space<vmem_shared>> -> memref<80x128xf32, #tpu.memory_space<vmem_shared>>
        %dma_wait3A_650 = arith.constant 0 : i32
        %dma_wait3A_651 = arith.constant 0 : i32
        %dma_wait3A_652 = tpu.memref_slice %arg8[%run_scoped3A_628, %dma_wait3A_650, %dma_wait3A_651] : memref<3x80x128xf32, #tpu.memory_space<vmem>> -> memref<1x80x128xf32, #tpu.memory_space<vmem>>
        %dma_wait3A_653 = tpu.memref_squeeze %dma_wait3A_652 : memref<1x80x128xf32, #tpu.memory_space<vmem>> -> memref<80x128xf32, #tpu.memory_space<vmem>>
        tpu.wait_dma2 semaphore(%run_scoped3A_629 : memref<!tpu.dma_semaphore, #tpu.memory_space<semaphore_mem>>) src(%dma_wait3A_653 : memref<80x128xf32, #tpu.memory_space<vmem>>) dst(%dma_wait3A_649 : memref<80x128xf32, #tpu.memory_space<vmem_shared>>)
        tpu.yield
      }) : () -> ()
    } else {
    }
    %mul3A_61 = arith.constant 8 : i32
    %mul3A_62 = arith.muli %arg1, %mul3A_61 : i32
    %add3A_63 = arith.constant 7 : i32
    %add3A_64 = arith.addi %mul3A_62, %add3A_63 : i32
    %lt3A_65 = arith.constant 125 : i32
    %lt3A_66 = arith.cmpi slt, %add3A_64, %lt3A_65 : i32
    %convert_element_type3A_67 = arith.extui %lt3A_66 : i1 to i32
    %cond3A_68 = arith.constant 0 : i32
    %cond3A_69 = arith.cmpi ne, %convert_element_type3A_67, %cond3A_68 : i32
    scf.if %cond3A_69 {
      %mul3A_626 = arith.constant 80 : i32
      %mul3A_627 = arith.muli %add3A_64, %mul3A_626 : i32
      %run_scoped3A_628 = arith.constant 0 : i32
      "tpu.region"() ({
        %run_scoped3A_629 = tpu.sem_alloc : memref<!tpu.dma_semaphore, #tpu.memory_space<semaphore_mem>>
        %dma_start3A_630 = arith.constant 0 : i32
        %dma_start3A_631 = arith.constant 0 : i32
        %dma_start3A_632 = tpu.memref_slice %arg8[%run_scoped3A_628, %dma_start3A_630, %dma_start3A_631] : memref<3x80x128xf32, #tpu.memory_space<vmem>> -> memref<1x80x128xf32, #tpu.memory_space<vmem>>
        %dma_start3A_633 = tpu.memref_squeeze %dma_start3A_632 : memref<1x80x128xf32, #tpu.memory_space<vmem>> -> memref<80x128xf32, #tpu.memory_space<vmem>>
        %dma_start3A_634 = arith.constant 0 : i32
        %dma_start3A_635 = tpu.memref_slice %arg7[%mul3A_627, %dma_start3A_634] : memref<10000x128xf32, #tpu.memory_space<vmem_shared>> -> memref<80x128xf32, #tpu.memory_space<vmem_shared>>
        %dma_start3A_636 = arith.constant 0 : i32
        %dma_start3A_637 = tpu.memref_slice %arg7[%mul3A_627, %dma_start3A_636] : memref<10000x128xf32, #tpu.memory_space<vmem_shared>> -> memref<80x128xf32, #tpu.memory_space<vmem_shared>>
        %dma_start3A_638 = arith.constant 0 : i32
        %dma_start3A_639 = arith.constant 0 : i32
        %dma_start3A_640 = tpu.memref_slice %arg8[%run_scoped3A_628, %dma_start3A_638, %dma_start3A_639] : memref<3x80x128xf32, #tpu.memory_space<vmem>> -> memref<1x80x128xf32, #tpu.memory_space<vmem>>
        %dma_start3A_641 = tpu.memref_squeeze %dma_start3A_640 : memref<1x80x128xf32, #tpu.memory_space<vmem>> -> memref<80x128xf32, #tpu.memory_space<vmem>>
        tpu.enqueue_dma source(%dma_start3A_641 : memref<80x128xf32, #tpu.memory_space<vmem>>) target(%dma_start3A_637 : memref<80x128xf32, #tpu.memory_space<vmem_shared>>) target_semaphore(%run_scoped3A_629 : memref<!tpu.dma_semaphore, #tpu.memory_space<semaphore_mem>>)
        %dma_wait3A_642 = arith.constant 0 : i32
        %dma_wait3A_643 = arith.constant 0 : i32
        %dma_wait3A_644 = tpu.memref_slice %arg8[%run_scoped3A_628, %dma_wait3A_642, %dma_wait3A_643] : memref<3x80x128xf32, #tpu.memory_space<vmem>> -> memref<1x80x128xf32, #tpu.memory_space<vmem>>
        %dma_wait3A_645 = tpu.memref_squeeze %dma_wait3A_644 : memref<1x80x128xf32, #tpu.memory_space<vmem>> -> memref<80x128xf32, #tpu.memory_space<vmem>>
        %dma_wait3A_646 = arith.constant 0 : i32
        %dma_wait3A_647 = tpu.memref_slice %arg7[%mul3A_627, %dma_wait3A_646] : memref<10000x128xf32, #tpu.memory_space<vmem_shared>> -> memref<80x128xf32, #tpu.memory_space<vmem_shared>>
        %dma_wait3A_648 = arith.constant 0 : i32
        %dma_wait3A_649 = tpu.memref_slice %arg7[%mul3A_627, %dma_wait3A_648] : memref<10000x128xf32, #tpu.memory_space<vmem_shared>> -> memref<80x128xf32, #tpu.memory_space<vmem_shared>>
        %dma_wait3A_650 = arith.constant 0 : i32
        %dma_wait3A_651 = arith.constant 0 : i32
        %dma_wait3A_652 = tpu.memref_slice %arg8[%run_scoped3A_628, %dma_wait3A_650, %dma_wait3A_651] : memref<3x80x128xf32, #tpu.memory_space<vmem>> -> memref<1x80x128xf32, #tpu.memory_space<vmem>>
        %dma_wait3A_653 = tpu.memref_squeeze %dma_wait3A_652 : memref<1x80x128xf32, #tpu.memory_space<vmem>> -> memref<80x128xf32, #tpu.memory_space<vmem>>
        tpu.wait_dma2 semaphore(%run_scoped3A_629 : memref<!tpu.dma_semaphore, #tpu.memory_space<semaphore_mem>>) src(%dma_wait3A_653 : memref<80x128xf32, #tpu.memory_space<vmem>>) dst(%dma_wait3A_649 : memref<80x128xf32, #tpu.memory_space<vmem_shared>>)
        tpu.yield
      }) : () -> ()
    } else {
    }
    %scan3A = arith.constant 0 : i32
    %scan3A_70 = arith.constant 0 : i32
    %scan3A_71 = arith.constant 625 : i32
    %scan3A_72 = arith.addi %scan3A_70, %scan3A_71 : i32
    %scan3A_73 = arith.constant 1 : i32
    %scan3A_74 = scf.for %scan3A_626 = %scan3A_70 to %scan3A_72 step %scan3A_73 iter_args(%scan3A_627 = %scan3A) -> (i32)  : i32 {
      %broadcast_in_dim3A_628 = arith.constant 0.000000e+00 : f32
      %broadcast_in_dim3A_629 = vector.broadcast %broadcast_in_dim3A_628 : f32 to vector<16xf32>
      %mul3A_630 = arith.constant 16 : i32
      %mul3A_631 = arith.muli %scan3A_626, %mul3A_630 : i32
      %swap3A = arith.index_cast %mul3A_631 : i32 to index
      %swap3A_632 = tpu.vector_load %arg10[%swap3A] {strides = array<i32>} : memref<10000xf32, #tpu.memory_space<vmem>>, vector<16xf32>,
      tpu.vector_store %arg10[%swap3A], %broadcast_in_dim3A_629 {strides = array<i32>} : memref<10000xf32, #tpu.memory_space<vmem>>, vector<16xf32>,
      %scan3A_633 = arith.constant 0 : i32
      scf.yield %scan3A_633 : i32
    }
    %scan3A_75 = arith.constant 625 : i32
    %broadcast_in_dim3A = arith.constant 1.000000e+00 : f32
    %broadcast_in_dim3A_76 = vector.broadcast %broadcast_in_dim3A : f32 to vector<16xf32>
    %dma_start3A = arith.constant 0 : i32
    %dma_start3A_77 = arith.constant 0 : i32
    %dma_start3A_78 = arith.constant 0 : i32
    %dma_start3A_79 = arith.constant 0 : i32
    %dma_start3A_80 = tpu.memref_slice %arg8[%dma_start3A_77, %dma_start3A_78, %dma_start3A_79] : memref<3x80x128xf32, #tpu.memory_space<vmem>> -> memref<1x80x128xf32, #tpu.memory_space<vmem>>
    %dma_start3A_81 = tpu.memref_squeeze %dma_start3A_80 : memref<1x80x128xf32, #tpu.memory_space<vmem>> -> memref<80x128xf32, #tpu.memory_space<vmem>>
    %dma_start3A_82 = arith.constant 0 : i32
    %dma_start3A_83 = arith.constant 0 : i32
    %dma_start3A_84 = tpu.memref_slice %arg2[%add3A, %dma_start3A, %dma_start3A_82, %dma_start3A_83] : memref<32x125x80x128xf32, #tpu.memory_space<hbm>> -> memref<1x1x80x128xf32, #tpu.memory_space<hbm>>
    %dma_start3A_85 = tpu.memref_squeeze %dma_start3A_84 : memref<1x1x80x128xf32, #tpu.memory_space<hbm>> -> memref<80x128xf32, #tpu.memory_space<hbm>>
    %dma_start3A_86 = arith.constant 0 : i32
    %dma_start3A_87 = arith.constant 0 : i32
    %dma_start3A_88 = tpu.memref_slice %arg8[%dma_start3A_77, %dma_start3A_86, %dma_start3A_87] : memref<3x80x128xf32, #tpu.memory_space<vmem>> -> memref<1x80x128xf32, #tpu.memory_space<vmem>>
    %dma_start3A_89 = tpu.memref_squeeze %dma_start3A_88 : memref<1x80x128xf32, #tpu.memory_space<vmem>> -> memref<80x128xf32, #tpu.memory_space<vmem>>
    %dma_start3A_90 = arith.constant 0 : i32
    %dma_start3A_91 = arith.constant 0 : i32
    %dma_start3A_92 = tpu.memref_slice %arg2[%add3A, %dma_start3A, %dma_start3A_90, %dma_start3A_91] : memref<32x125x80x128xf32, #tpu.memory_space<hbm>> -> memref<1x1x80x128xf32, #tpu.memory_space<hbm>>
    %dma_start3A_93 = tpu.memref_squeeze %dma_start3A_92 : memref<1x1x80x128xf32, #tpu.memory_space<hbm>> -> memref<80x128xf32, #tpu.memory_space<hbm>>
    tpu.enqueue_dma source(%dma_start3A_93 : memref<80x128xf32, #tpu.memory_space<hbm>>) target(%dma_start3A_89 : memref<80x128xf32, #tpu.memory_space<vmem>>) target_semaphore(%arg11 : memref<!tpu.dma_semaphore, #tpu.memory_space<semaphore_mem>>)
    %dma_start3A_94 = arith.constant 0 : i32
    %dma_start3A_95 = arith.constant 0 : i32
    %dma_start3A_96 = arith.constant 0 : i32
    %dma_start3A_97 = tpu.memref_slice %arg9[%dma_start3A_95, %dma_start3A_96] : memref<3x80xi32, #tpu.memory_space<vmem>> -> memref<1x80xi32, #tpu.memory_space<vmem>>
    %dma_start3A_98 = tpu.memref_squeeze %dma_start3A_97 : memref<1x80xi32, #tpu.memory_space<vmem>> -> memref<80xi32, #tpu.memory_space<vmem>>
    %dma_start3A_99 = arith.constant 0 : i32
    %dma_start3A_100 = tpu.memref_slice %arg3[%add3A, %dma_start3A_94, %dma_start3A_99] : memref<32x125x80xi32, #tpu.memory_space<hbm>> -> memref<1x1x80xi32, #tpu.memory_space<hbm>>
    %dma_start3A_101 = tpu.memref_squeeze %dma_start3A_100 : memref<1x1x80xi32, #tpu.memory_space<hbm>> -> memref<80xi32, #tpu.memory_space<hbm>>
    %dma_start3A_102 = arith.constant 0 : i32
    %dma_start3A_103 = tpu.memref_slice %arg9[%dma_start3A_95, %dma_start3A_102] : memref<3x80xi32, #tpu.memory_space<vmem>> -> memref<1x80xi32, #tpu.memory_space<vmem>>
    %dma_start3A_104 = tpu.memref_squeeze %dma_start3A_103 : memref<1x80xi32, #tpu.memory_space<vmem>> -> memref<80xi32, #tpu.memory_space<vmem>>
    %dma_start3A_105 = arith.constant 0 : i32
    %dma_start3A_106 = tpu.memref_slice %arg3[%add3A, %dma_start3A_94, %dma_start3A_105] : memref<32x125x80xi32, #tpu.memory_space<hbm>> -> memref<1x1x80xi32, #tpu.memory_space<hbm>>
    %dma_start3A_107 = tpu.memref_squeeze %dma_start3A_106 : memref<1x1x80xi32, #tpu.memory_space<hbm>> -> memref<80xi32, #tpu.memory_space<hbm>>
    tpu.enqueue_dma source(%dma_start3A_107 : memref<80xi32, #tpu.memory_space<hbm>>) target(%dma_start3A_104 : memref<80xi32, #tpu.memory_space<vmem>>) target_semaphore(%arg11 : memref<!tpu.dma_semaphore, #tpu.memory_space<semaphore_mem>>)
    %dma_start3A_108 = arith.constant 1 : i32
    %dma_start3A_109 = arith.constant 1 : i32
    %dma_start3A_110 = arith.constant 0 : i32
    %dma_start3A_111 = arith.constant 0 : i32
    %dma_start3A_112 = tpu.memref_slice %arg8[%dma_start3A_109, %dma_start3A_110, %dma_start3A_111] : memref<3x80x128xf32, #tpu.memory_space<vmem>> -> memref<1x80x128xf32, #tpu.memory_space<vmem>>
    %dma_start3A_113 = tpu.memref_squeeze %dma_start3A_112 : memref<1x80x128xf32, #tpu.memory_space<vmem>> -> memref<80x128xf32, #tpu.memory_space<vmem>>
    %dma_start3A_114 = arith.constant 0 : i32
    %dma_start3A_115 = arith.constant 0 : i32
    %dma_start3A_116 = tpu.memref_slice %arg2[%add3A, %dma_start3A_108, %dma_start3A_114, %dma_start3A_115] : memref<32x125x80x128xf32, #tpu.memory_space<hbm>> -> memref<1x1x80x128xf32, #tpu.memory_space<hbm>>
    %dma_start3A_117 = tpu.memref_squeeze %dma_start3A_116 : memref<1x1x80x128xf32, #tpu.memory_space<hbm>> -> memref<80x128xf32, #tpu.memory_space<hbm>>
    %dma_start3A_118 = arith.constant 0 : i32
    %dma_start3A_119 = arith.constant 0 : i32
    %dma_start3A_120 = tpu.memref_slice %arg8[%dma_start3A_109, %dma_start3A_118, %dma_start3A_119] : memref<3x80x128xf32, #tpu.memory_space<vmem>> -> memref<1x80x128xf32, #tpu.memory_space<vmem>>
    %dma_start3A_121 = tpu.memref_squeeze %dma_start3A_120 : memref<1x80x128xf32, #tpu.memory_space<vmem>> -> memref<80x128xf32, #tpu.memory_space<vmem>>
    %dma_start3A_122 = arith.constant 0 : i32
    %dma_start3A_123 = arith.constant 0 : i32
    %dma_start3A_124 = tpu.memref_slice %arg2[%add3A, %dma_start3A_108, %dma_start3A_122, %dma_start3A_123] : memref<32x125x80x128xf32, #tpu.memory_space<hbm>> -> memref<1x1x80x128xf32, #tpu.memory_space<hbm>>
    %dma_start3A_125 = tpu.memref_squeeze %dma_start3A_124 : memref<1x1x80x128xf32, #tpu.memory_space<hbm>> -> memref<80x128xf32, #tpu.memory_space<hbm>>
    tpu.enqueue_dma source(%dma_start3A_125 : memref<80x128xf32, #tpu.memory_space<hbm>>) target(%dma_start3A_121 : memref<80x128xf32, #tpu.memory_space<vmem>>) target_semaphore(%arg12 : memref<!tpu.dma_semaphore, #tpu.memory_space<semaphore_mem>>)
    %dma_start3A_126 = arith.constant 1 : i32
    %dma_start3A_127 = arith.constant 1 : i32
    %dma_start3A_128 = arith.constant 0 : i32
    %dma_start3A_129 = tpu.memref_slice %arg9[%dma_start3A_127, %dma_start3A_128] : memref<3x80xi32, #tpu.memory_space<vmem>> -> memref<1x80xi32, #tpu.memory_space<vmem>>
    %dma_start3A_130 = tpu.memref_squeeze %dma_start3A_129 : memref<1x80xi32, #tpu.memory_space<vmem>> -> memref<80xi32, #tpu.memory_space<vmem>>
    %dma_start3A_131 = arith.constant 0 : i32
    %dma_start3A_132 = tpu.memref_slice %arg3[%add3A, %dma_start3A_126, %dma_start3A_131] : memref<32x125x80xi32, #tpu.memory_space<hbm>> -> memref<1x1x80xi32, #tpu.memory_space<hbm>>
    %dma_start3A_133 = tpu.memref_squeeze %dma_start3A_132 : memref<1x1x80xi32, #tpu.memory_space<hbm>> -> memref<80xi32, #tpu.memory_space<hbm>>
    %dma_start3A_134 = arith.constant 0 : i32
    %dma_start3A_135 = tpu.memref_slice %arg9[%dma_start3A_127, %dma_start3A_134] : memref<3x80xi32, #tpu.memory_space<vmem>> -> memref<1x80xi32, #tpu.memory_space<vmem>>
    %dma_start3A_136 = tpu.memref_squeeze %dma_start3A_135 : memref<1x80xi32, #tpu.memory_space<vmem>> -> memref<80xi32, #tpu.memory_space<vmem>>
    %dma_start3A_137 = arith.constant 0 : i32
    %dma_start3A_138 = tpu.memref_slice %arg3[%add3A, %dma_start3A_126, %dma_start3A_137] : memref<32x125x80xi32, #tpu.memory_space<hbm>> -> memref<1x1x80xi32, #tpu.memory_space<hbm>>
    %dma_start3A_139 = tpu.memref_squeeze %dma_start3A_138 : memref<1x1x80xi32, #tpu.memory_space<hbm>> -> memref<80xi32, #tpu.memory_space<hbm>>
    tpu.enqueue_dma source(%dma_start3A_139 : memref<80xi32, #tpu.memory_space<hbm>>) target(%dma_start3A_136 : memref<80xi32, #tpu.memory_space<vmem>>) target_semaphore(%arg12 : memref<!tpu.dma_semaphore, #tpu.memory_space<semaphore_mem>>)
    %dma_start3A_140 = arith.constant 2 : i32
    %dma_start3A_141 = arith.constant 2 : i32
    %dma_start3A_142 = arith.constant 0 : i32
    %dma_start3A_143 = arith.constant 0 : i32
    %dma_start3A_144 = tpu.memref_slice %arg8[%dma_start3A_141, %dma_start3A_142, %dma_start3A_143] : memref<3x80x128xf32, #tpu.memory_space<vmem>> -> memref<1x80x128xf32, #tpu.memory_space<vmem>>
    %dma_start3A_145 = tpu.memref_squeeze %dma_start3A_144 : memref<1x80x128xf32, #tpu.memory_space<vmem>> -> memref<80x128xf32, #tpu.memory_space<vmem>>
    %dma_start3A_146 = arith.constant 0 : i32
    %dma_start3A_147 = arith.constant 0 : i32
    %dma_start3A_148 = tpu.memref_slice %arg2[%add3A, %dma_start3A_140, %dma_start3A_146, %dma_start3A_147] : memref<32x125x80x128xf32, #tpu.memory_space<hbm>> -> memref<1x1x80x128xf32, #tpu.memory_space<hbm>>
    %dma_start3A_149 = tpu.memref_squeeze %dma_start3A_148 : memref<1x1x80x128xf32, #tpu.memory_space<hbm>> -> memref<80x128xf32, #tpu.memory_space<hbm>>
    %dma_start3A_150 = arith.constant 0 : i32
    %dma_start3A_151 = arith.constant 0 : i32
    %dma_start3A_152 = tpu.memref_slice %arg8[%dma_start3A_141, %dma_start3A_150, %dma_start3A_151] : memref<3x80x128xf32, #tpu.memory_space<vmem>> -> memref<1x80x128xf32, #tpu.memory_space<vmem>>
    %dma_start3A_153 = tpu.memref_squeeze %dma_start3A_152 : memref<1x80x128xf32, #tpu.memory_space<vmem>> -> memref<80x128xf32, #tpu.memory_space<vmem>>
    %dma_start3A_154 = arith.constant 0 : i32
    %dma_start3A_155 = arith.constant 0 : i32
    %dma_start3A_156 = tpu.memref_slice %arg2[%add3A, %dma_start3A_140, %dma_start3A_154, %dma_start3A_155] : memref<32x125x80x128xf32, #tpu.memory_space<hbm>> -> memref<1x1x80x128xf32, #tpu.memory_space<hbm>>
    %dma_start3A_157 = tpu.memref_squeeze %dma_start3A_156 : memref<1x1x80x128xf32, #tpu.memory_space<hbm>> -> memref<80x128xf32, #tpu.memory_space<hbm>>
    tpu.enqueue_dma source(%dma_start3A_157 : memref<80x128xf32, #tpu.memory_space<hbm>>) target(%dma_start3A_153 : memref<80x128xf32, #tpu.memory_space<vmem>>) target_semaphore(%arg13 : memref<!tpu.dma_semaphore, #tpu.memory_space<semaphore_mem>>)
    %dma_start3A_158 = arith.constant 2 : i32
    %dma_start3A_159 = arith.constant 2 : i32
    %dma_start3A_160 = arith.constant 0 : i32
    %dma_start3A_161 = tpu.memref_slice %arg9[%dma_start3A_159, %dma_start3A_160] : memref<3x80xi32, #tpu.memory_space<vmem>> -> memref<1x80xi32, #tpu.memory_space<vmem>>
    %dma_start3A_162 = tpu.memref_squeeze %dma_start3A_161 : memref<1x80xi32, #tpu.memory_space<vmem>> -> memref<80xi32, #tpu.memory_space<vmem>>
    %dma_start3A_163 = arith.constant 0 : i32
    %dma_start3A_164 = tpu.memref_slice %arg3[%add3A, %dma_start3A_158, %dma_start3A_163] : memref<32x125x80xi32, #tpu.memory_space<hbm>> -> memref<1x1x80xi32, #tpu.memory_space<hbm>>
    %dma_start3A_165 = tpu.memref_squeeze %dma_start3A_164 : memref<1x1x80xi32, #tpu.memory_space<hbm>> -> memref<80xi32, #tpu.memory_space<hbm>>
    %dma_start3A_166 = arith.constant 0 : i32
    %dma_start3A_167 = tpu.memref_slice %arg9[%dma_start3A_159, %dma_start3A_166] : memref<3x80xi32, #tpu.memory_space<vmem>> -> memref<1x80xi32, #tpu.memory_space<vmem>>
    %dma_start3A_168 = tpu.memref_squeeze %dma_start3A_167 : memref<1x80xi32, #tpu.memory_space<vmem>> -> memref<80xi32, #tpu.memory_space<vmem>>
    %dma_start3A_169 = arith.constant 0 : i32
    %dma_start3A_170 = tpu.memref_slice %arg3[%add3A, %dma_start3A_158, %dma_start3A_169] : memref<32x125x80xi32, #tpu.memory_space<hbm>> -> memref<1x1x80xi32, #tpu.memory_space<hbm>>
    %dma_start3A_171 = tpu.memref_squeeze %dma_start3A_170 : memref<1x1x80xi32, #tpu.memory_space<hbm>> -> memref<80xi32, #tpu.memory_space<hbm>>
    tpu.enqueue_dma source(%dma_start3A_171 : memref<80xi32, #tpu.memory_space<hbm>>) target(%dma_start3A_168 : memref<80xi32, #tpu.memory_space<vmem>>) target_semaphore(%arg13 : memref<!tpu.dma_semaphore, #tpu.memory_space<semaphore_mem>>)
    %barrier3A = arith.constant 0 : index
    tpu.barrier barrier_id(%barrier3A)
    %dma_wait3A = arith.constant 0 : i32
    %dma_wait3A_172 = arith.constant 0 : i32
    %dma_wait3A_173 = arith.constant 0 : i32
    %dma_wait3A_174 = arith.constant 0 : i32
    %dma_wait3A_175 = tpu.memref_slice %arg8[%dma_wait3A_172, %dma_wait3A_173, %dma_wait3A_174] : memref<3x80x128xf32, #tpu.memory_space<vmem>> -> memref<1x80x128xf32, #tpu.memory_space<vmem>>
    %dma_wait3A_176 = tpu.memref_squeeze %dma_wait3A_175 : memref<1x80x128xf32, #tpu.memory_space<vmem>> -> memref<80x128xf32, #tpu.memory_space<vmem>>
    %dma_wait3A_177 = arith.constant 0 : i32
    %dma_wait3A_178 = arith.constant 0 : i32
    %dma_wait3A_179 = tpu.memref_slice %arg2[%add3A, %dma_wait3A, %dma_wait3A_177, %dma_wait3A_178] : memref<32x125x80x128xf32, #tpu.memory_space<hbm>> -> memref<1x1x80x128xf32, #tpu.memory_space<hbm>>
    %dma_wait3A_180 = tpu.memref_squeeze %dma_wait3A_179 : memref<1x1x80x128xf32, #tpu.memory_space<hbm>> -> memref<80x128xf32, #tpu.memory_space<hbm>>
    %dma_wait3A_181 = arith.constant 0 : i32
    %dma_wait3A_182 = arith.constant 0 : i32
    %dma_wait3A_183 = tpu.memref_slice %arg8[%dma_wait3A_172, %dma_wait3A_181, %dma_wait3A_182] : memref<3x80x128xf32, #tpu.memory_space<vmem>> -> memref<1x80x128xf32, #tpu.memory_space<vmem>>
    %dma_wait3A_184 = tpu.memref_squeeze %dma_wait3A_183 : memref<1x80x128xf32, #tpu.memory_space<vmem>> -> memref<80x128xf32, #tpu.memory_space<vmem>>
    %dma_wait3A_185 = arith.constant 0 : i32
    %dma_wait3A_186 = arith.constant 0 : i32
    %dma_wait3A_187 = tpu.memref_slice %arg2[%add3A, %dma_wait3A, %dma_wait3A_185, %dma_wait3A_186] : memref<32x125x80x128xf32, #tpu.memory_space<hbm>> -> memref<1x1x80x128xf32, #tpu.memory_space<hbm>>
    %dma_wait3A_188 = tpu.memref_squeeze %dma_wait3A_187 : memref<1x1x80x128xf32, #tpu.memory_space<hbm>> -> memref<80x128xf32, #tpu.memory_space<hbm>>
    tpu.wait_dma2 semaphore(%arg11 : memref<!tpu.dma_semaphore, #tpu.memory_space<semaphore_mem>>) src(%dma_wait3A_188 : memref<80x128xf32, #tpu.memory_space<hbm>>) dst(%dma_wait3A_184 : memref<80x128xf32, #tpu.memory_space<vmem>>)
    %dma_wait3A_189 = arith.constant 0 : i32
    %dma_wait3A_190 = arith.constant 0 : i32
    %dma_wait3A_191 = arith.constant 0 : i32
    %dma_wait3A_192 = tpu.memref_slice %arg9[%dma_wait3A_190, %dma_wait3A_191] : memref<3x80xi32, #tpu.memory_space<vmem>> -> memref<1x80xi32, #tpu.memory_space<vmem>>
    %dma_wait3A_193 = tpu.memref_squeeze %dma_wait3A_192 : memref<1x80xi32, #tpu.memory_space<vmem>> -> memref<80xi32, #tpu.memory_space<vmem>>
    %dma_wait3A_194 = arith.constant 0 : i32
    %dma_wait3A_195 = tpu.memref_slice %arg3[%add3A, %dma_wait3A_189, %dma_wait3A_194] : memref<32x125x80xi32, #tpu.memory_space<hbm>> -> memref<1x1x80xi32, #tpu.memory_space<hbm>>
    %dma_wait3A_196 = tpu.memref_squeeze %dma_wait3A_195 : memref<1x1x80xi32, #tpu.memory_space<hbm>> -> memref<80xi32, #tpu.memory_space<hbm>>
    %dma_wait3A_197 = arith.constant 0 : i32
    %dma_wait3A_198 = tpu.memref_slice %arg9[%dma_wait3A_190, %dma_wait3A_197] : memref<3x80xi32, #tpu.memory_space<vmem>> -> memref<1x80xi32, #tpu.memory_space<vmem>>
    %dma_wait3A_199 = tpu.memref_squeeze %dma_wait3A_198 : memref<1x80xi32, #tpu.memory_space<vmem>> -> memref<80xi32, #tpu.memory_space<vmem>>
    %dma_wait3A_200 = arith.constant 0 : i32
    %dma_wait3A_201 = tpu.memref_slice %arg3[%add3A, %dma_wait3A_189, %dma_wait3A_200] : memref<32x125x80xi32, #tpu.memory_space<hbm>> -> memref<1x1x80xi32, #tpu.memory_space<hbm>>
    %dma_wait3A_202 = tpu.memref_squeeze %dma_wait3A_201 : memref<1x1x80xi32, #tpu.memory_space<hbm>> -> memref<80xi32, #tpu.memory_space<hbm>>
    tpu.wait_dma2 semaphore(%arg11 : memref<!tpu.dma_semaphore, #tpu.memory_space<semaphore_mem>>) src(%dma_wait3A_202 : memref<80xi32, #tpu.memory_space<hbm>>) dst(%dma_wait3A_199 : memref<80xi32, #tpu.memory_space<vmem>>)
    %get3A = arith.constant 0 : i32
    %get3A_203 = arith.index_cast %get3A : i32 to index
    %get3A_204 = arith.constant 0 : index
    %get3A_205 = tpu.vector_load %arg9[%get3A_203, %get3A_204] {strides = array<i32>} : memref<3x80xi32, #tpu.memory_space<vmem>>, vector<16xi32>,
    tpu.vector_store_idx %arg10[%get3A_205], %broadcast_in_dim3A_76 {add = true} : memref<10000xf32, #tpu.memory_space<vmem>>[vector<16xi32>], vector<16xf32>,
    %get3A_206 = arith.constant 0 : i32
    %get3A_207 = arith.index_cast %get3A_206 : i32 to index
    %get3A_208 = arith.constant 16 : index
    %get3A_209 = tpu.vector_load %arg9[%get3A_207, %get3A_208] {strides = array<i32>} : memref<3x80xi32, #tpu.memory_space<vmem>>, vector<16xi32>,
    tpu.vector_store_idx %arg10[%get3A_209], %broadcast_in_dim3A_76 {add = true} : memref<10000xf32, #tpu.memory_space<vmem>>[vector<16xi32>], vector<16xf32>,
    %get3A_210 = arith.constant 0 : i32
    %get3A_211 = arith.index_cast %get3A_210 : i32 to index
    %get3A_212 = arith.constant 32 : index
    %get3A_213 = tpu.vector_load %arg9[%get3A_211, %get3A_212] {strides = array<i32>} : memref<3x80xi32, #tpu.memory_space<vmem>>, vector<16xi32>,
    tpu.vector_store_idx %arg10[%get3A_213], %broadcast_in_dim3A_76 {add = true} : memref<10000xf32, #tpu.memory_space<vmem>>[vector<16xi32>], vector<16xf32>,
    %get3A_214 = arith.constant 0 : i32
    %get3A_215 = arith.index_cast %get3A_214 : i32 to index
    %get3A_216 = arith.constant 48 : index
    %get3A_217 = tpu.vector_load %arg9[%get3A_215, %get3A_216] {strides = array<i32>} : memref<3x80xi32, #tpu.memory_space<vmem>>, vector<16xi32>,
    tpu.vector_store_idx %arg10[%get3A_217], %broadcast_in_dim3A_76 {add = true} : memref<10000xf32, #tpu.memory_space<vmem>>[vector<16xi32>], vector<16xf32>,
    %get3A_218 = arith.constant 0 : i32
    %get3A_219 = arith.index_cast %get3A_218 : i32 to index
    %get3A_220 = arith.constant 64 : index
    %get3A_221 = tpu.vector_load %arg9[%get3A_219, %get3A_220] {strides = array<i32>} : memref<3x80xi32, #tpu.memory_space<vmem>>, vector<16xi32>,
    tpu.vector_store_idx %arg10[%get3A_221], %broadcast_in_dim3A_76 {add = true} : memref<10000xf32, #tpu.memory_space<vmem>>[vector<16xi32>], vector<16xf32>,
    %dma_start3A_222 = arith.constant 0 : i32
    %dma_start3A_223 = arith.constant 0 : i32
    %dma_start3A_224 = arith.constant 0 : i32
    %dma_start3A_225 = arith.constant 0 : i32
    %dma_start3A_226 = tpu.memref_slice %arg8[%dma_start3A_222, %dma_start3A_224, %dma_start3A_225] : memref<3x80x128xf32, #tpu.memory_space<vmem>> -> memref<1x80x128xf32, #tpu.memory_space<vmem>>
    %dma_start3A_227 = tpu.memref_squeeze %dma_start3A_226 : memref<1x80x128xf32, #tpu.memory_space<vmem>> -> memref<80x128xf32, #tpu.memory_space<vmem>>
    %dma_start3A_228 = arith.constant 0 : i32
    %dma_start3A_229 = tpu.memref_slice %arg9[%dma_start3A_223, %dma_start3A_228] : memref<3x80xi32, #tpu.memory_space<vmem>> -> memref<1x80xi32, #tpu.memory_space<vmem>>
    %dma_start3A_230 = tpu.memref_squeeze %dma_start3A_229 : memref<1x80xi32, #tpu.memory_space<vmem>> -> memref<80xi32, #tpu.memory_space<vmem>>
    %dma_start3A_231 = arith.constant 0 : i32
    %dma_start3A_232 = arith.constant 0 : i32
    %dma_start3A_233 = tpu.memref_slice %arg7[%dma_start3A_231, %dma_start3A_232] : memref<10000x128xf32, #tpu.memory_space<vmem_shared>> -> memref<10000x128xf32, #tpu.memory_space<vmem_shared>>
    tpu.enqueue_indirect_dma source(%dma_start3A_227 : memref<80x128xf32, #tpu.memory_space<vmem>>) target(%dma_start3A_233 : memref<10000x128xf32, #tpu.memory_space<vmem_shared>>) offsets(%dma_start3A_230 : memref<80xi32, #tpu.memory_space<vmem>>) semaphore(%arg14 : memref<!tpu.dma_semaphore, #tpu.memory_space<semaphore_mem>>) {add = true}
    %scan3A_234 = arith.constant 0 : i32
    %scan3A_235 = arith.constant 0 : i32
    %scan3A_236 = arith.constant 40 : i32
    %scan3A_237 = arith.addi %scan3A_235, %scan3A_236 : i32
    %scan3A_238 = arith.constant 1 : i32
    %scan3A_239 = scf.for %scan3A_626 = %scan3A_235 to %scan3A_237 step %scan3A_238 iter_args(%scan3A_627 = %scan3A_234) -> (i32)  : i32 {
      %mul3A_628 = arith.constant 3 : i32
      %mul3A_629 = arith.muli %mul3A_628, %scan3A_626 : i32
      %add3A_630 = arith.constant 1 : i32
      %add3A_631 = arith.addi %mul3A_629, %add3A_630 : i32
      %add3A_632 = arith.constant 0 : i32
      %add3A_633 = arith.addi %add3A_631, %add3A_632 : i32
      %dma_wait3A_634 = arith.constant 0 : i32
      %dma_wait3A_635 = arith.constant 0 : i32
      %dma_wait3A_636 = arith.constant 0 : i32
      %dma_wait3A_637 = arith.constant 0 : i32
      %dma_wait3A_638 = tpu.memref_slice %arg8[%dma_wait3A_634, %dma_wait3A_636, %dma_wait3A_637] : memref<3x80x128xf32, #tpu.memory_space<vmem>> -> memref<1x80x128xf32, #tpu.memory_space<vmem>>
      %dma_wait3A_639 = tpu.memref_squeeze %dma_wait3A_638 : memref<1x80x128xf32, #tpu.memory_space<vmem>> -> memref<80x128xf32, #tpu.memory_space<vmem>>
      %dma_wait3A_640 = arith.constant 0 : i32
      %dma_wait3A_641 = tpu.memref_slice %arg9[%dma_wait3A_635, %dma_wait3A_640] : memref<3x80xi32, #tpu.memory_space<vmem>> -> memref<1x80xi32, #tpu.memory_space<vmem>>
      %dma_wait3A_642 = tpu.memref_squeeze %dma_wait3A_641 : memref<1x80xi32, #tpu.memory_space<vmem>> -> memref<80xi32, #tpu.memory_space<vmem>>
      %dma_wait3A_643 = arith.constant 0 : i32
      %dma_wait3A_644 = arith.constant 0 : i32
      %dma_wait3A_645 = tpu.memref_slice %arg7[%dma_wait3A_643, %dma_wait3A_644] : memref<10000x128xf32, #tpu.memory_space<vmem_shared>> -> memref<10000x128xf32, #tpu.memory_space<vmem_shared>>
      tpu.wait_indirect_dma semaphore(%arg14 : memref<!tpu.dma_semaphore, #tpu.memory_space<semaphore_mem>>) src(%dma_wait3A_639 : memref<80x128xf32, #tpu.memory_space<vmem>>) dst(%dma_wait3A_645 : memref<10000x128xf32, #tpu.memory_space<vmem_shared>>)
      %add3A_646 = arith.constant 2 : i32
      %add3A_647 = arith.addi %add3A_633, %add3A_646 : i32
      %dma_start3A_648 = arith.constant 0 : i32
      %dma_start3A_649 = arith.constant 0 : i32
      %dma_start3A_650 = arith.constant 0 : i32
      %dma_start3A_651 = tpu.memref_slice %arg8[%dma_start3A_648, %dma_start3A_649, %dma_start3A_650] : memref<3x80x128xf32, #tpu.memory_space<vmem>> -> memref<1x80x128xf32, #tpu.memory_space<vmem>>
      %dma_start3A_652 = tpu.memref_squeeze %dma_start3A_651 : memref<1x80x128xf32, #tpu.memory_space<vmem>> -> memref<80x128xf32, #tpu.memory_space<vmem>>
      %dma_start3A_653 = arith.constant 0 : i32
      %dma_start3A_654 = arith.constant 0 : i32
      %dma_start3A_655 = tpu.memref_slice %arg2[%add3A, %add3A_647, %dma_start3A_653, %dma_start3A_654] : memref<32x125x80x128xf32, #tpu.memory_space<hbm>> -> memref<1x1x80x128xf32, #tpu.memory_space<hbm>>
      %dma_start3A_656 = tpu.memref_squeeze %dma_start3A_655 : memref<1x1x80x128xf32, #tpu.memory_space<hbm>> -> memref<80x128xf32, #tpu.memory_space<hbm>>
      %dma_start3A_657 = arith.constant 0 : i32
      %dma_start3A_658 = arith.constant 0 : i32
      %dma_start3A_659 = tpu.memref_slice %arg8[%dma_start3A_648, %dma_start3A_657, %dma_start3A_658] : memref<3x80x128xf32, #tpu.memory_space<vmem>> -> memref<1x80x128xf32, #tpu.memory_space<vmem>>
      %dma_start3A_660 = tpu.memref_squeeze %dma_start3A_659 : memref<1x80x128xf32, #tpu.memory_space<vmem>> -> memref<80x128xf32, #tpu.memory_space<vmem>>
      %dma_start3A_661 = arith.constant 0 : i32
      %dma_start3A_662 = arith.constant 0 : i32
      %dma_start3A_663 = tpu.memref_slice %arg2[%add3A, %add3A_647, %dma_start3A_661, %dma_start3A_662] : memref<32x125x80x128xf32, #tpu.memory_space<hbm>> -> memref<1x1x80x128xf32, #tpu.memory_space<hbm>>
      %dma_start3A_664 = tpu.memref_squeeze %dma_start3A_663 : memref<1x1x80x128xf32, #tpu.memory_space<hbm>> -> memref<80x128xf32, #tpu.memory_space<hbm>>
      tpu.enqueue_dma source(%dma_start3A_664 : memref<80x128xf32, #tpu.memory_space<hbm>>) target(%dma_start3A_660 : memref<80x128xf32, #tpu.memory_space<vmem>>) target_semaphore(%arg11 : memref<!tpu.dma_semaphore, #tpu.memory_space<semaphore_mem>>)
      %dma_start3A_665 = arith.constant 0 : i32
      %dma_start3A_666 = arith.constant 0 : i32
      %dma_start3A_667 = tpu.memref_slice %arg9[%dma_start3A_665, %dma_start3A_666] : memref<3x80xi32, #tpu.memory_space<vmem>> -> memref<1x80xi32, #tpu.memory_space<vmem>>
      %dma_start3A_668 = tpu.memref_squeeze %dma_start3A_667 : memref<1x80xi32, #tpu.memory_space<vmem>> -> memref<80xi32, #tpu.memory_space<vmem>>
      %dma_start3A_669 = arith.constant 0 : i32
      %dma_start3A_670 = tpu.memref_slice %arg3[%add3A, %add3A_647, %dma_start3A_669] : memref<32x125x80xi32, #tpu.memory_space<hbm>> -> memref<1x1x80xi32, #tpu.memory_space<hbm>>
      %dma_start3A_671 = tpu.memref_squeeze %dma_start3A_670 : memref<1x1x80xi32, #tpu.memory_space<hbm>> -> memref<80xi32, #tpu.memory_space<hbm>>
      %dma_start3A_672 = arith.constant 0 : i32
      %dma_start3A_673 = tpu.memref_slice %arg9[%dma_start3A_665, %dma_start3A_672] : memref<3x80xi32, #tpu.memory_space<vmem>> -> memref<1x80xi32, #tpu.memory_space<vmem>>
      %dma_start3A_674 = tpu.memref_squeeze %dma_start3A_673 : memref<1x80xi32, #tpu.memory_space<vmem>> -> memref<80xi32, #tpu.memory_space<vmem>>
      %dma_start3A_675 = arith.constant 0 : i32
      %dma_start3A_676 = tpu.memref_slice %arg3[%add3A, %add3A_647, %dma_start3A_675] : memref<32x125x80xi32, #tpu.memory_space<hbm>> -> memref<1x1x80xi32, #tpu.memory_space<hbm>>
      %dma_start3A_677 = tpu.memref_squeeze %dma_start3A_676 : memref<1x1x80xi32, #tpu.memory_space<hbm>> -> memref<80xi32, #tpu.memory_space<hbm>>
      tpu.enqueue_dma source(%dma_start3A_677 : memref<80xi32, #tpu.memory_space<hbm>>) target(%dma_start3A_674 : memref<80xi32, #tpu.memory_space<vmem>>) target_semaphore(%arg11 : memref<!tpu.dma_semaphore, #tpu.memory_space<semaphore_mem>>)
      %dma_wait3A_678 = arith.constant 0 : i32
      %dma_wait3A_679 = arith.constant 1 : i32
      %dma_wait3A_680 = arith.constant 0 : i32
      %dma_wait3A_681 = arith.constant 0 : i32
      %dma_wait3A_682 = tpu.memref_slice %arg8[%dma_wait3A_679, %dma_wait3A_680, %dma_wait3A_681] : memref<3x80x128xf32, #tpu.memory_space<vmem>> -> memref<1x80x128xf32, #tpu.memory_space<vmem>>
      %dma_wait3A_683 = tpu.memref_squeeze %dma_wait3A_682 : memref<1x80x128xf32, #tpu.memory_space<vmem>> -> memref<80x128xf32, #tpu.memory_space<vmem>>
      %dma_wait3A_684 = arith.constant 0 : i32
      %dma_wait3A_685 = arith.constant 0 : i32
      %dma_wait3A_686 = tpu.memref_slice %arg2[%add3A, %dma_wait3A_678, %dma_wait3A_684, %dma_wait3A_685] : memref<32x125x80x128xf32, #tpu.memory_space<hbm>> -> memref<1x1x80x128xf32, #tpu.memory_space<hbm>>
      %dma_wait3A_687 = tpu.memref_squeeze %dma_wait3A_686 : memref<1x1x80x128xf32, #tpu.memory_space<hbm>> -> memref<80x128xf32, #tpu.memory_space<hbm>>
      %dma_wait3A_688 = arith.constant 0 : i32
      %dma_wait3A_689 = arith.constant 0 : i32
      %dma_wait3A_690 = tpu.memref_slice %arg8[%dma_wait3A_679, %dma_wait3A_688, %dma_wait3A_689] : memref<3x80x128xf32, #tpu.memory_space<vmem>> -> memref<1x80x128xf32, #tpu.memory_space<vmem>>
      %dma_wait3A_691 = tpu.memref_squeeze %dma_wait3A_690 : memref<1x80x128xf32, #tpu.memory_space<vmem>> -> memref<80x128xf32, #tpu.memory_space<vmem>>
      %dma_wait3A_692 = arith.constant 0 : i32
      %dma_wait3A_693 = arith.constant 0 : i32
      %dma_wait3A_694 = tpu.memref_slice %arg2[%add3A, %dma_wait3A_678, %dma_wait3A_692, %dma_wait3A_693] : memref<32x125x80x128xf32, #tpu.memory_space<hbm>> -> memref<1x1x80x128xf32, #tpu.memory_space<hbm>>
      %dma_wait3A_695 = tpu.memref_squeeze %dma_wait3A_694 : memref<1x1x80x128xf32, #tpu.memory_space<hbm>> -> memref<80x128xf32, #tpu.memory_space<hbm>>
      tpu.wait_dma2 semaphore(%arg12 : memref<!tpu.dma_semaphore, #tpu.memory_space<semaphore_mem>>) src(%dma_wait3A_695 : memref<80x128xf32, #tpu.memory_space<hbm>>) dst(%dma_wait3A_691 : memref<80x128xf32, #tpu.memory_space<vmem>>)
      %dma_wait3A_696 = arith.constant 0 : i32
      %dma_wait3A_697 = arith.constant 1 : i32
      %dma_wait3A_698 = arith.constant 0 : i32
      %dma_wait3A_699 = tpu.memref_slice %arg9[%dma_wait3A_697, %dma_wait3A_698] : memref<3x80xi32, #tpu.memory_space<vmem>> -> memref<1x80xi32, #tpu.memory_space<vmem>>
      %dma_wait3A_700 = tpu.memref_squeeze %dma_wait3A_699 : memref<1x80xi32, #tpu.memory_space<vmem>> -> memref<80xi32, #tpu.memory_space<vmem>>
      %dma_wait3A_701 = arith.constant 0 : i32
      %dma_wait3A_702 = tpu.memref_slice %arg3[%add3A, %dma_wait3A_696, %dma_wait3A_701] : memref<32x125x80xi32, #tpu.memory_space<hbm>> -> memref<1x1x80xi32, #tpu.memory_space<hbm>>
      %dma_wait3A_703 = tpu.memref_squeeze %dma_wait3A_702 : memref<1x1x80xi32, #tpu.memory_space<hbm>> -> memref<80xi32, #tpu.memory_space<hbm>>
      %dma_wait3A_704 = arith.constant 0 : i32
      %dma_wait3A_705 = tpu.memref_slice %arg9[%dma_wait3A_697, %dma_wait3A_704] : memref<3x80xi32, #tpu.memory_space<vmem>> -> memref<1x80xi32, #tpu.memory_space<vmem>>
      %dma_wait3A_706 = tpu.memref_squeeze %dma_wait3A_705 : memref<1x80xi32, #tpu.memory_space<vmem>> -> memref<80xi32, #tpu.memory_space<vmem>>
      %dma_wait3A_707 = arith.constant 0 : i32
      %dma_wait3A_708 = tpu.memref_slice %arg3[%add3A, %dma_wait3A_696, %dma_wait3A_707] : memref<32x125x80xi32, #tpu.memory_space<hbm>> -> memref<1x1x80xi32, #tpu.memory_space<hbm>>
      %dma_wait3A_709 = tpu.memref_squeeze %dma_wait3A_708 : memref<1x1x80xi32, #tpu.memory_space<hbm>> -> memref<80xi32, #tpu.memory_space<hbm>>
      tpu.wait_dma2 semaphore(%arg12 : memref<!tpu.dma_semaphore, #tpu.memory_space<semaphore_mem>>) src(%dma_wait3A_709 : memref<80xi32, #tpu.memory_space<hbm>>) dst(%dma_wait3A_706 : memref<80xi32, #tpu.memory_space<vmem>>)
      %get3A_710 = arith.constant 1 : i32
      %get3A_711 = arith.index_cast %get3A_710 : i32 to index
      %get3A_712 = arith.constant 0 : index
      %get3A_713 = tpu.vector_load %arg9[%get3A_711, %get3A_712] {strides = array<i32>} : memref<3x80xi32, #tpu.memory_space<vmem>>, vector<16xi32>,
      tpu.vector_store_idx %arg10[%get3A_713], %broadcast_in_dim3A_76 {add = true} : memref<10000xf32, #tpu.memory_space<vmem>>[vector<16xi32>], vector<16xf32>,
      %get3A_714 = arith.constant 1 : i32
      %get3A_715 = arith.index_cast %get3A_714 : i32 to index
      %get3A_716 = arith.constant 16 : index
      %get3A_717 = tpu.vector_load %arg9[%get3A_715, %get3A_716] {strides = array<i32>} : memref<3x80xi32, #tpu.memory_space<vmem>>, vector<16xi32>,
      tpu.vector_store_idx %arg10[%get3A_717], %broadcast_in_dim3A_76 {add = true} : memref<10000xf32, #tpu.memory_space<vmem>>[vector<16xi32>], vector<16xf32>,
      %get3A_718 = arith.constant 1 : i32
      %get3A_719 = arith.index_cast %get3A_718 : i32 to index
      %get3A_720 = arith.constant 32 : index
      %get3A_721 = tpu.vector_load %arg9[%get3A_719, %get3A_720] {strides = array<i32>} : memref<3x80xi32, #tpu.memory_space<vmem>>, vector<16xi32>,
      tpu.vector_store_idx %arg10[%get3A_721], %broadcast_in_dim3A_76 {add = true} : memref<10000xf32, #tpu.memory_space<vmem>>[vector<16xi32>], vector<16xf32>,
      %get3A_722 = arith.constant 1 : i32
      %get3A_723 = arith.index_cast %get3A_722 : i32 to index
      %get3A_724 = arith.constant 48 : index
      %get3A_725 = tpu.vector_load %arg9[%get3A_723, %get3A_724] {strides = array<i32>} : memref<3x80xi32, #tpu.memory_space<vmem>>, vector<16xi32>,
      tpu.vector_store_idx %arg10[%get3A_725], %broadcast_in_dim3A_76 {add = true} : memref<10000xf32, #tpu.memory_space<vmem>>[vector<16xi32>], vector<16xf32>,
      %get3A_726 = arith.constant 1 : i32
      %get3A_727 = arith.index_cast %get3A_726 : i32 to index
      %get3A_728 = arith.constant 64 : index
      %get3A_729 = tpu.vector_load %arg9[%get3A_727, %get3A_728] {strides = array<i32>} : memref<3x80xi32, #tpu.memory_space<vmem>>, vector<16xi32>,
      tpu.vector_store_idx %arg10[%get3A_729], %broadcast_in_dim3A_76 {add = true} : memref<10000xf32, #tpu.memory_space<vmem>>[vector<16xi32>], vector<16xf32>,
      %dma_start3A_730 = arith.constant 1 : i32
      %dma_start3A_731 = arith.constant 1 : i32
      %dma_start3A_732 = arith.constant 0 : i32
      %dma_start3A_733 = arith.constant 0 : i32
      %dma_start3A_734 = tpu.memref_slice %arg8[%dma_start3A_730, %dma_start3A_732, %dma_start3A_733] : memref<3x80x128xf32, #tpu.memory_space<vmem>> -> memref<1x80x128xf32, #tpu.memory_space<vmem>>
      %dma_start3A_735 = tpu.memref_squeeze %dma_start3A_734 : memref<1x80x128xf32, #tpu.memory_space<vmem>> -> memref<80x128xf32, #tpu.memory_space<vmem>>
      %dma_start3A_736 = arith.constant 0 : i32
      %dma_start3A_737 = tpu.memref_slice %arg9[%dma_start3A_731, %dma_start3A_736] : memref<3x80xi32, #tpu.memory_space<vmem>> -> memref<1x80xi32, #tpu.memory_space<vmem>>
      %dma_start3A_738 = tpu.memref_squeeze %dma_start3A_737 : memref<1x80xi32, #tpu.memory_space<vmem>> -> memref<80xi32, #tpu.memory_space<vmem>>
      %dma_start3A_739 = arith.constant 0 : i32
      %dma_start3A_740 = arith.constant 0 : i32
      %dma_start3A_741 = tpu.memref_slice %arg7[%dma_start3A_739, %dma_start3A_740] : memref<10000x128xf32, #tpu.memory_space<vmem_shared>> -> memref<10000x128xf32, #tpu.memory_space<vmem_shared>>
      tpu.enqueue_indirect_dma source(%dma_start3A_735 : memref<80x128xf32, #tpu.memory_space<vmem>>) target(%dma_start3A_741 : memref<10000x128xf32, #tpu.memory_space<vmem_shared>>) offsets(%dma_start3A_738 : memref<80xi32, #tpu.memory_space<vmem>>) semaphore(%arg15 : memref<!tpu.dma_semaphore, #tpu.memory_space<semaphore_mem>>) {add = true}
      %add3A_742 = arith.constant 1 : i32
      %add3A_743 = arith.addi %add3A_631, %add3A_742 : i32
      %dma_wait3A_744 = arith.constant 1 : i32
      %dma_wait3A_745 = arith.constant 1 : i32
      %dma_wait3A_746 = arith.constant 0 : i32
      %dma_wait3A_747 = arith.constant 0 : i32
      %dma_wait3A_748 = tpu.memref_slice %arg8[%dma_wait3A_744, %dma_wait3A_746, %dma_wait3A_747] : memref<3x80x128xf32, #tpu.memory_space<vmem>> -> memref<1x80x128xf32, #tpu.memory_space<vmem>>
      %dma_wait3A_749 = tpu.memref_squeeze %dma_wait3A_748 : memref<1x80x128xf32, #tpu.memory_space<vmem>> -> memref<80x128xf32, #tpu.memory_space<vmem>>
      %dma_wait3A_750 = arith.constant 0 : i32
      %dma_wait3A_751 = tpu.memref_slice %arg9[%dma_wait3A_745, %dma_wait3A_750] : memref<3x80xi32, #tpu.memory_space<vmem>> -> memref<1x80xi32, #tpu.memory_space<vmem>>
      %dma_wait3A_752 = tpu.memref_squeeze %dma_wait3A_751 : memref<1x80xi32, #tpu.memory_space<vmem>> -> memref<80xi32, #tpu.memory_space<vmem>>
      %dma_wait3A_753 = arith.constant 0 : i32
      %dma_wait3A_754 = arith.constant 0 : i32
      %dma_wait3A_755 = tpu.memref_slice %arg7[%dma_wait3A_753, %dma_wait3A_754] : memref<10000x128xf32, #tpu.memory_space<vmem_shared>> -> memref<10000x128xf32, #tpu.memory_space<vmem_shared>>
      tpu.wait_indirect_dma semaphore(%arg15 : memref<!tpu.dma_semaphore, #tpu.memory_space<semaphore_mem>>) src(%dma_wait3A_749 : memref<80x128xf32, #tpu.memory_space<vmem>>) dst(%dma_wait3A_755 : memref<10000x128xf32, #tpu.memory_space<vmem_shared>>)
      %add3A_756 = arith.constant 2 : i32
      %add3A_757 = arith.addi %add3A_743, %add3A_756 : i32
      %dma_start3A_758 = arith.constant 1 : i32
      %dma_start3A_759 = arith.constant 0 : i32
      %dma_start3A_760 = arith.constant 0 : i32
      %dma_start3A_761 = tpu.memref_slice %arg8[%dma_start3A_758, %dma_start3A_759, %dma_start3A_760] : memref<3x80x128xf32, #tpu.memory_space<vmem>> -> memref<1x80x128xf32, #tpu.memory_space<vmem>>
      %dma_start3A_762 = tpu.memref_squeeze %dma_start3A_761 : memref<1x80x128xf32, #tpu.memory_space<vmem>> -> memref<80x128xf32, #tpu.memory_space<vmem>>
      %dma_start3A_763 = arith.constant 0 : i32
      %dma_start3A_764 = arith.constant 0 : i32
      %dma_start3A_765 = tpu.memref_slice %arg2[%add3A, %add3A_757, %dma_start3A_763, %dma_start3A_764] : memref<32x125x80x128xf32, #tpu.memory_space<hbm>> -> memref<1x1x80x128xf32, #tpu.memory_space<hbm>>
      %dma_start3A_766 = tpu.memref_squeeze %dma_start3A_765 : memref<1x1x80x128xf32, #tpu.memory_space<hbm>> -> memref<80x128xf32, #tpu.memory_space<hbm>>
      %dma_start3A_767 = arith.constant 0 : i32
      %dma_start3A_768 = arith.constant 0 : i32
      %dma_start3A_769 = tpu.memref_slice %arg8[%dma_start3A_758, %dma_start3A_767, %dma_start3A_768] : memref<3x80x128xf32, #tpu.memory_space<vmem>> -> memref<1x80x128xf32, #tpu.memory_space<vmem>>
      %dma_start3A_770 = tpu.memref_squeeze %dma_start3A_769 : memref<1x80x128xf32, #tpu.memory_space<vmem>> -> memref<80x128xf32, #tpu.memory_space<vmem>>
      %dma_start3A_771 = arith.constant 0 : i32
      %dma_start3A_772 = arith.constant 0 : i32
      %dma_start3A_773 = tpu.memref_slice %arg2[%add3A, %add3A_757, %dma_start3A_771, %dma_start3A_772] : memref<32x125x80x128xf32, #tpu.memory_space<hbm>> -> memref<1x1x80x128xf32, #tpu.memory_space<hbm>>
      %dma_start3A_774 = tpu.memref_squeeze %dma_start3A_773 : memref<1x1x80x128xf32, #tpu.memory_space<hbm>> -> memref<80x128xf32, #tpu.memory_space<hbm>>
      tpu.enqueue_dma source(%dma_start3A_774 : memref<80x128xf32, #tpu.memory_space<hbm>>) target(%dma_start3A_770 : memref<80x128xf32, #tpu.memory_space<vmem>>) target_semaphore(%arg12 : memref<!tpu.dma_semaphore, #tpu.memory_space<semaphore_mem>>)
      %dma_start3A_775 = arith.constant 1 : i32
      %dma_start3A_776 = arith.constant 0 : i32
      %dma_start3A_777 = tpu.memref_slice %arg9[%dma_start3A_775, %dma_start3A_776] : memref<3x80xi32, #tpu.memory_space<vmem>> -> memref<1x80xi32, #tpu.memory_space<vmem>>
      %dma_start3A_778 = tpu.memref_squeeze %dma_start3A_777 : memref<1x80xi32, #tpu.memory_space<vmem>> -> memref<80xi32, #tpu.memory_space<vmem>>
      %dma_start3A_779 = arith.constant 0 : i32
      %dma_start3A_780 = tpu.memref_slice %arg3[%add3A, %add3A_757, %dma_start3A_779] : memref<32x125x80xi32, #tpu.memory_space<hbm>> -> memref<1x1x80xi32, #tpu.memory_space<hbm>>
      %dma_start3A_781 = tpu.memref_squeeze %dma_start3A_780 : memref<1x1x80xi32, #tpu.memory_space<hbm>> -> memref<80xi32, #tpu.memory_space<hbm>>
      %dma_start3A_782 = arith.constant 0 : i32
      %dma_start3A_783 = tpu.memref_slice %arg9[%dma_start3A_775, %dma_start3A_782] : memref<3x80xi32, #tpu.memory_space<vmem>> -> memref<1x80xi32, #tpu.memory_space<vmem>>
      %dma_start3A_784 = tpu.memref_squeeze %dma_start3A_783 : memref<1x80xi32, #tpu.memory_space<vmem>> -> memref<80xi32, #tpu.memory_space<vmem>>
      %dma_start3A_785 = arith.constant 0 : i32
      %dma_start3A_786 = tpu.memref_slice %arg3[%add3A, %add3A_757, %dma_start3A_785] : memref<32x125x80xi32, #tpu.memory_space<hbm>> -> memref<1x1x80xi32, #tpu.memory_space<hbm>>
      %dma_start3A_787 = tpu.memref_squeeze %dma_start3A_786 : memref<1x1x80xi32, #tpu.memory_space<hbm>> -> memref<80xi32, #tpu.memory_space<hbm>>
      tpu.enqueue_dma source(%dma_start3A_787 : memref<80xi32, #tpu.memory_space<hbm>>) target(%dma_start3A_784 : memref<80xi32, #tpu.memory_space<vmem>>) target_semaphore(%arg12 : memref<!tpu.dma_semaphore, #tpu.memory_space<semaphore_mem>>)
      %dma_wait3A_788 = arith.constant 0 : i32
      %dma_wait3A_789 = arith.constant 2 : i32
      %dma_wait3A_790 = arith.constant 0 : i32
      %dma_wait3A_791 = arith.constant 0 : i32
      %dma_wait3A_792 = tpu.memref_slice %arg8[%dma_wait3A_789, %dma_wait3A_790, %dma_wait3A_791] : memref<3x80x128xf32, #tpu.memory_space<vmem>> -> memref<1x80x128xf32, #tpu.memory_space<vmem>>
      %dma_wait3A_793 = tpu.memref_squeeze %dma_wait3A_792 : memref<1x80x128xf32, #tpu.memory_space<vmem>> -> memref<80x128xf32, #tpu.memory_space<vmem>>
      %dma_wait3A_794 = arith.constant 0 : i32
      %dma_wait3A_795 = arith.constant 0 : i32
      %dma_wait3A_796 = tpu.memref_slice %arg2[%add3A, %dma_wait3A_788, %dma_wait3A_794, %dma_wait3A_795] : memref<32x125x80x128xf32, #tpu.memory_space<hbm>> -> memref<1x1x80x128xf32, #tpu.memory_space<hbm>>
      %dma_wait3A_797 = tpu.memref_squeeze %dma_wait3A_796 : memref<1x1x80x128xf32, #tpu.memory_space<hbm>> -> memref<80x128xf32, #tpu.memory_space<hbm>>
      %dma_wait3A_798 = arith.constant 0 : i32
      %dma_wait3A_799 = arith.constant 0 : i32
      %dma_wait3A_800 = tpu.memref_slice %arg8[%dma_wait3A_789, %dma_wait3A_798, %dma_wait3A_799] : memref<3x80x128xf32, #tpu.memory_space<vmem>> -> memref<1x80x128xf32, #tpu.memory_space<vmem>>
      %dma_wait3A_801 = tpu.memref_squeeze %dma_wait3A_800 : memref<1x80x128xf32, #tpu.memory_space<vmem>> -> memref<80x128xf32, #tpu.memory_space<vmem>>
      %dma_wait3A_802 = arith.constant 0 : i32
      %dma_wait3A_803 = arith.constant 0 : i32
      %dma_wait3A_804 = tpu.memref_slice %arg2[%add3A, %dma_wait3A_788, %dma_wait3A_802, %dma_wait3A_803] : memref<32x125x80x128xf32, #tpu.memory_space<hbm>> -> memref<1x1x80x128xf32, #tpu.memory_space<hbm>>
      %dma_wait3A_805 = tpu.memref_squeeze %dma_wait3A_804 : memref<1x1x80x128xf32, #tpu.memory_space<hbm>> -> memref<80x128xf32, #tpu.memory_space<hbm>>
      tpu.wait_dma2 semaphore(%arg13 : memref<!tpu.dma_semaphore, #tpu.memory_space<semaphore_mem>>) src(%dma_wait3A_805 : memref<80x128xf32, #tpu.memory_space<hbm>>) dst(%dma_wait3A_801 : memref<80x128xf32, #tpu.memory_space<vmem>>)
      %dma_wait3A_806 = arith.constant 0 : i32
      %dma_wait3A_807 = arith.constant 2 : i32
      %dma_wait3A_808 = arith.constant 0 : i32
      %dma_wait3A_809 = tpu.memref_slice %arg9[%dma_wait3A_807, %dma_wait3A_808] : memref<3x80xi32, #tpu.memory_space<vmem>> -> memref<1x80xi32, #tpu.memory_space<vmem>>
      %dma_wait3A_810 = tpu.memref_squeeze %dma_wait3A_809 : memref<1x80xi32, #tpu.memory_space<vmem>> -> memref<80xi32, #tpu.memory_space<vmem>>
      %dma_wait3A_811 = arith.constant 0 : i32
      %dma_wait3A_812 = tpu.memref_slice %arg3[%add3A, %dma_wait3A_806, %dma_wait3A_811] : memref<32x125x80xi32, #tpu.memory_space<hbm>> -> memref<1x1x80xi32, #tpu.memory_space<hbm>>
      %dma_wait3A_813 = tpu.memref_squeeze %dma_wait3A_812 : memref<1x1x80xi32, #tpu.memory_space<hbm>> -> memref<80xi32, #tpu.memory_space<hbm>>
      %dma_wait3A_814 = arith.constant 0 : i32
      %dma_wait3A_815 = tpu.memref_slice %arg9[%dma_wait3A_807, %dma_wait3A_814] : memref<3x80xi32, #tpu.memory_space<vmem>> -> memref<1x80xi32, #tpu.memory_space<vmem>>
      %dma_wait3A_816 = tpu.memref_squeeze %dma_wait3A_815 : memref<1x80xi32, #tpu.memory_space<vmem>> -> memref<80xi32, #tpu.memory_space<vmem>>
      %dma_wait3A_817 = arith.constant 0 : i32
      %dma_wait3A_818 = tpu.memref_slice %arg3[%add3A, %dma_wait3A_806, %dma_wait3A_817] : memref<32x125x80xi32, #tpu.memory_space<hbm>> -> memref<1x1x80xi32, #tpu.memory_space<hbm>>
      %dma_wait3A_819 = tpu.memref_squeeze %dma_wait3A_818 : memref<1x1x80xi32, #tpu.memory_space<hbm>> -> memref<80xi32, #tpu.memory_space<hbm>>
      tpu.wait_dma2 semaphore(%arg13 : memref<!tpu.dma_semaphore, #tpu.memory_space<semaphore_mem>>) src(%dma_wait3A_819 : memref<80xi32, #tpu.memory_space<hbm>>) dst(%dma_wait3A_816 : memref<80xi32, #tpu.memory_space<vmem>>)
      %get3A_820 = arith.constant 2 : i32
      %get3A_821 = arith.index_cast %get3A_820 : i32 to index
      %get3A_822 = arith.constant 0 : index
      %get3A_823 = tpu.vector_load %arg9[%get3A_821, %get3A_822] {strides = array<i32>} : memref<3x80xi32, #tpu.memory_space<vmem>>, vector<16xi32>,
      tpu.vector_store_idx %arg10[%get3A_823], %broadcast_in_dim3A_76 {add = true} : memref<10000xf32, #tpu.memory_space<vmem>>[vector<16xi32>], vector<16xf32>,
      %get3A_824 = arith.constant 2 : i32
      %get3A_825 = arith.index_cast %get3A_824 : i32 to index
      %get3A_826 = arith.constant 16 : index
      %get3A_827 = tpu.vector_load %arg9[%get3A_825, %get3A_826] {strides = array<i32>} : memref<3x80xi32, #tpu.memory_space<vmem>>, vector<16xi32>,
      tpu.vector_store_idx %arg10[%get3A_827], %broadcast_in_dim3A_76 {add = true} : memref<10000xf32, #tpu.memory_space<vmem>>[vector<16xi32>], vector<16xf32>,
      %get3A_828 = arith.constant 2 : i32
      %get3A_829 = arith.index_cast %get3A_828 : i32 to index
      %get3A_830 = arith.constant 32 : index
      %get3A_831 = tpu.vector_load %arg9[%get3A_829, %get3A_830] {strides = array<i32>} : memref<3x80xi32, #tpu.memory_space<vmem>>, vector<16xi32>,
      tpu.vector_store_idx %arg10[%get3A_831], %broadcast_in_dim3A_76 {add = true} : memref<10000xf32, #tpu.memory_space<vmem>>[vector<16xi32>], vector<16xf32>,
      %get3A_832 = arith.constant 2 : i32
      %get3A_833 = arith.index_cast %get3A_832 : i32 to index
      %get3A_834 = arith.constant 48 : index
      %get3A_835 = tpu.vector_load %arg9[%get3A_833, %get3A_834] {strides = array<i32>} : memref<3x80xi32, #tpu.memory_space<vmem>>, vector<16xi32>,
      tpu.vector_store_idx %arg10[%get3A_835], %broadcast_in_dim3A_76 {add = true} : memref<10000xf32, #tpu.memory_space<vmem>>[vector<16xi32>], vector<16xf32>,
      %get3A_836 = arith.constant 2 : i32
      %get3A_837 = arith.index_cast %get3A_836 : i32 to index
      %get3A_838 = arith.constant 64 : index
      %get3A_839 = tpu.vector_load %arg9[%get3A_837, %get3A_838] {strides = array<i32>} : memref<3x80xi32, #tpu.memory_space<vmem>>, vector<16xi32>,
      tpu.vector_store_idx %arg10[%get3A_839], %broadcast_in_dim3A_76 {add = true} : memref<10000xf32, #tpu.memory_space<vmem>>[vector<16xi32>], vector<16xf32>,
      %dma_start3A_840 = arith.constant 2 : i32
      %dma_start3A_841 = arith.constant 2 : i32
      %dma_start3A_842 = arith.constant 0 : i32
      %dma_start3A_843 = arith.constant 0 : i32
      %dma_start3A_844 = tpu.memref_slice %arg8[%dma_start3A_840, %dma_start3A_842, %dma_start3A_843] : memref<3x80x128xf32, #tpu.memory_space<vmem>> -> memref<1x80x128xf32, #tpu.memory_space<vmem>>
      %dma_start3A_845 = tpu.memref_squeeze %dma_start3A_844 : memref<1x80x128xf32, #tpu.memory_space<vmem>> -> memref<80x128xf32, #tpu.memory_space<vmem>>
      %dma_start3A_846 = arith.constant 0 : i32
      %dma_start3A_847 = tpu.memref_slice %arg9[%dma_start3A_841, %dma_start3A_846] : memref<3x80xi32, #tpu.memory_space<vmem>> -> memref<1x80xi32, #tpu.memory_space<vmem>>
      %dma_start3A_848 = tpu.memref_squeeze %dma_start3A_847 : memref<1x80xi32, #tpu.memory_space<vmem>> -> memref<80xi32, #tpu.memory_space<vmem>>
      %dma_start3A_849 = arith.constant 0 : i32
      %dma_start3A_850 = arith.constant 0 : i32
      %dma_start3A_851 = tpu.memref_slice %arg7[%dma_start3A_849, %dma_start3A_850] : memref<10000x128xf32, #tpu.memory_space<vmem_shared>> -> memref<10000x128xf32, #tpu.memory_space<vmem_shared>>
      tpu.enqueue_indirect_dma source(%dma_start3A_845 : memref<80x128xf32, #tpu.memory_space<vmem>>) target(%dma_start3A_851 : memref<10000x128xf32, #tpu.memory_space<vmem_shared>>) offsets(%dma_start3A_848 : memref<80xi32, #tpu.memory_space<vmem>>) semaphore(%arg16 : memref<!tpu.dma_semaphore, #tpu.memory_space<semaphore_mem>>) {add = true}
      %add3A_852 = arith.constant 2 : i32
      %add3A_853 = arith.addi %add3A_631, %add3A_852 : i32
      %dma_wait3A_854 = arith.constant 2 : i32
      %dma_wait3A_855 = arith.constant 2 : i32
      %dma_wait3A_856 = arith.constant 0 : i32
      %dma_wait3A_857 = arith.constant 0 : i32
      %dma_wait3A_858 = tpu.memref_slice %arg8[%dma_wait3A_854, %dma_wait3A_856, %dma_wait3A_857] : memref<3x80x128xf32, #tpu.memory_space<vmem>> -> memref<1x80x128xf32, #tpu.memory_space<vmem>>
      %dma_wait3A_859 = tpu.memref_squeeze %dma_wait3A_858 : memref<1x80x128xf32, #tpu.memory_space<vmem>> -> memref<80x128xf32, #tpu.memory_space<vmem>>
      %dma_wait3A_860 = arith.constant 0 : i32
      %dma_wait3A_861 = tpu.memref_slice %arg9[%dma_wait3A_855, %dma_wait3A_860] : memref<3x80xi32, #tpu.memory_space<vmem>> -> memref<1x80xi32, #tpu.memory_space<vmem>>
      %dma_wait3A_862 = tpu.memref_squeeze %dma_wait3A_861 : memref<1x80xi32, #tpu.memory_space<vmem>> -> memref<80xi32, #tpu.memory_space<vmem>>
      %dma_wait3A_863 = arith.constant 0 : i32
      %dma_wait3A_864 = arith.constant 0 : i32
      %dma_wait3A_865 = tpu.memref_slice %arg7[%dma_wait3A_863, %dma_wait3A_864] : memref<10000x128xf32, #tpu.memory_space<vmem_shared>> -> memref<10000x128xf32, #tpu.memory_space<vmem_shared>>
      tpu.wait_indirect_dma semaphore(%arg16 : memref<!tpu.dma_semaphore, #tpu.memory_space<semaphore_mem>>) src(%dma_wait3A_859 : memref<80x128xf32, #tpu.memory_space<vmem>>) dst(%dma_wait3A_865 : memref<10000x128xf32, #tpu.memory_space<vmem_shared>>)
      %add3A_866 = arith.constant 2 : i32
      %add3A_867 = arith.addi %add3A_853, %add3A_866 : i32
      %dma_start3A_868 = arith.constant 2 : i32
      %dma_start3A_869 = arith.constant 0 : i32
      %dma_start3A_870 = arith.constant 0 : i32
      %dma_start3A_871 = tpu.memref_slice %arg8[%dma_start3A_868, %dma_start3A_869, %dma_start3A_870] : memref<3x80x128xf32, #tpu.memory_space<vmem>> -> memref<1x80x128xf32, #tpu.memory_space<vmem>>
      %dma_start3A_872 = tpu.memref_squeeze %dma_start3A_871 : memref<1x80x128xf32, #tpu.memory_space<vmem>> -> memref<80x128xf32, #tpu.memory_space<vmem>>
      %dma_start3A_873 = arith.constant 0 : i32
      %dma_start3A_874 = arith.constant 0 : i32
      %dma_start3A_875 = tpu.memref_slice %arg2[%add3A, %add3A_867, %dma_start3A_873, %dma_start3A_874] : memref<32x125x80x128xf32, #tpu.memory_space<hbm>> -> memref<1x1x80x128xf32, #tpu.memory_space<hbm>>
      %dma_start3A_876 = tpu.memref_squeeze %dma_start3A_875 : memref<1x1x80x128xf32, #tpu.memory_space<hbm>> -> memref<80x128xf32, #tpu.memory_space<hbm>>
      %dma_start3A_877 = arith.constant 0 : i32
      %dma_start3A_878 = arith.constant 0 : i32
      %dma_start3A_879 = tpu.memref_slice %arg8[%dma_start3A_868, %dma_start3A_877, %dma_start3A_878] : memref<3x80x128xf32, #tpu.memory_space<vmem>> -> memref<1x80x128xf32, #tpu.memory_space<vmem>>
      %dma_start3A_880 = tpu.memref_squeeze %dma_start3A_879 : memref<1x80x128xf32, #tpu.memory_space<vmem>> -> memref<80x128xf32, #tpu.memory_space<vmem>>
      %dma_start3A_881 = arith.constant 0 : i32
      %dma_start3A_882 = arith.constant 0 : i32
      %dma_start3A_883 = tpu.memref_slice %arg2[%add3A, %add3A_867, %dma_start3A_881, %dma_start3A_882] : memref<32x125x80x128xf32, #tpu.memory_space<hbm>> -> memref<1x1x80x128xf32, #tpu.memory_space<hbm>>
      %dma_start3A_884 = tpu.memref_squeeze %dma_start3A_883 : memref<1x1x80x128xf32, #tpu.memory_space<hbm>> -> memref<80x128xf32, #tpu.memory_space<hbm>>
      tpu.enqueue_dma source(%dma_start3A_884 : memref<80x128xf32, #tpu.memory_space<hbm>>) target(%dma_start3A_880 : memref<80x128xf32, #tpu.memory_space<vmem>>) target_semaphore(%arg13 : memref<!tpu.dma_semaphore, #tpu.memory_space<semaphore_mem>>)
      %dma_start3A_885 = arith.constant 2 : i32
      %dma_start3A_886 = arith.constant 0 : i32
      %dma_start3A_887 = tpu.memref_slice %arg9[%dma_start3A_885, %dma_start3A_886] : memref<3x80xi32, #tpu.memory_space<vmem>> -> memref<1x80xi32, #tpu.memory_space<vmem>>
      %dma_start3A_888 = tpu.memref_squeeze %dma_start3A_887 : memref<1x80xi32, #tpu.memory_space<vmem>> -> memref<80xi32, #tpu.memory_space<vmem>>
      %dma_start3A_889 = arith.constant 0 : i32
      %dma_start3A_890 = tpu.memref_slice %arg3[%add3A, %add3A_867, %dma_start3A_889] : memref<32x125x80xi32, #tpu.memory_space<hbm>> -> memref<1x1x80xi32, #tpu.memory_space<hbm>>
      %dma_start3A_891 = tpu.memref_squeeze %dma_start3A_890 : memref<1x1x80xi32, #tpu.memory_space<hbm>> -> memref<80xi32, #tpu.memory_space<hbm>>
      %dma_start3A_892 = arith.constant 0 : i32
      %dma_start3A_893 = tpu.memref_slice %arg9[%dma_start3A_885, %dma_start3A_892] : memref<3x80xi32, #tpu.memory_space<vmem>> -> memref<1x80xi32, #tpu.memory_space<vmem>>
      %dma_start3A_894 = tpu.memref_squeeze %dma_start3A_893 : memref<1x80xi32, #tpu.memory_space<vmem>> -> memref<80xi32, #tpu.memory_space<vmem>>
      %dma_start3A_895 = arith.constant 0 : i32
      %dma_start3A_896 = tpu.memref_slice %arg3[%add3A, %add3A_867, %dma_start3A_895] : memref<32x125x80xi32, #tpu.memory_space<hbm>> -> memref<1x1x80xi32, #tpu.memory_space<hbm>>
      %dma_start3A_897 = tpu.memref_squeeze %dma_start3A_896 : memref<1x1x80xi32, #tpu.memory_space<hbm>> -> memref<80xi32, #tpu.memory_space<hbm>>
      tpu.enqueue_dma source(%dma_start3A_897 : memref<80xi32, #tpu.memory_space<hbm>>) target(%dma_start3A_894 : memref<80xi32, #tpu.memory_space<vmem>>) target_semaphore(%arg13 : memref<!tpu.dma_semaphore, #tpu.memory_space<semaphore_mem>>)
      %dma_wait3A_898 = arith.constant 0 : i32
      %dma_wait3A_899 = arith.constant 0 : i32
      %dma_wait3A_900 = arith.constant 0 : i32
      %dma_wait3A_901 = arith.constant 0 : i32
      %dma_wait3A_902 = tpu.memref_slice %arg8[%dma_wait3A_899, %dma_wait3A_900, %dma_wait3A_901] : memref<3x80x128xf32, #tpu.memory_space<vmem>> -> memref<1x80x128xf32, #tpu.memory_space<vmem>>
      %dma_wait3A_903 = tpu.memref_squeeze %dma_wait3A_902 : memref<1x80x128xf32, #tpu.memory_space<vmem>> -> memref<80x128xf32, #tpu.memory_space<vmem>>
      %dma_wait3A_904 = arith.constant 0 : i32
      %dma_wait3A_905 = arith.constant 0 : i32
      %dma_wait3A_906 = tpu.memref_slice %arg2[%add3A, %dma_wait3A_898, %dma_wait3A_904, %dma_wait3A_905] : memref<32x125x80x128xf32, #tpu.memory_space<hbm>> -> memref<1x1x80x128xf32, #tpu.memory_space<hbm>>
      %dma_wait3A_907 = tpu.memref_squeeze %dma_wait3A_906 : memref<1x1x80x128xf32, #tpu.memory_space<hbm>> -> memref<80x128xf32, #tpu.memory_space<hbm>>
      %dma_wait3A_908 = arith.constant 0 : i32
      %dma_wait3A_909 = arith.constant 0 : i32
      %dma_wait3A_910 = tpu.memref_slice %arg8[%dma_wait3A_899, %dma_wait3A_908, %dma_wait3A_909] : memref<3x80x128xf32, #tpu.memory_space<vmem>> -> memref<1x80x128xf32, #tpu.memory_space<vmem>>
      %dma_wait3A_911 = tpu.memref_squeeze %dma_wait3A_910 : memref<1x80x128xf32, #tpu.memory_space<vmem>> -> memref<80x128xf32, #tpu.memory_space<vmem>>
      %dma_wait3A_912 = arith.constant 0 : i32
      %dma_wait3A_913 = arith.constant 0 : i32
      %dma_wait3A_914 = tpu.memref_slice %arg2[%add3A, %dma_wait3A_898, %dma_wait3A_912, %dma_wait3A_913] : memref<32x125x80x128xf32, #tpu.memory_space<hbm>> -> memref<1x1x80x128xf32, #tpu.memory_space<hbm>>
      %dma_wait3A_915 = tpu.memref_squeeze %dma_wait3A_914 : memref<1x1x80x128xf32, #tpu.memory_space<hbm>> -> memref<80x128xf32, #tpu.memory_space<hbm>>
      tpu.wait_dma2 semaphore(%arg11 : memref<!tpu.dma_semaphore, #tpu.memory_space<semaphore_mem>>) src(%dma_wait3A_915 : memref<80x128xf32, #tpu.memory_space<hbm>>) dst(%dma_wait3A_911 : memref<80x128xf32, #tpu.memory_space<vmem>>)
      %dma_wait3A_916 = arith.constant 0 : i32
      %dma_wait3A_917 = arith.constant 0 : i32
      %dma_wait3A_918 = arith.constant 0 : i32
      %dma_wait3A_919 = tpu.memref_slice %arg9[%dma_wait3A_917, %dma_wait3A_918] : memref<3x80xi32, #tpu.memory_space<vmem>> -> memref<1x80xi32, #tpu.memory_space<vmem>>
      %dma_wait3A_920 = tpu.memref_squeeze %dma_wait3A_919 : memref<1x80xi32, #tpu.memory_space<vmem>> -> memref<80xi32, #tpu.memory_space<vmem>>
      %dma_wait3A_921 = arith.constant 0 : i32
      %dma_wait3A_922 = tpu.memref_slice %arg3[%add3A, %dma_wait3A_916, %dma_wait3A_921] : memref<32x125x80xi32, #tpu.memory_space<hbm>> -> memref<1x1x80xi32, #tpu.memory_space<hbm>>
      %dma_wait3A_923 = tpu.memref_squeeze %dma_wait3A_922 : memref<1x1x80xi32, #tpu.memory_space<hbm>> -> memref<80xi32, #tpu.memory_space<hbm>>
      %dma_wait3A_924 = arith.constant 0 : i32
      %dma_wait3A_925 = tpu.memref_slice %arg9[%dma_wait3A_917, %dma_wait3A_924] : memref<3x80xi32, #tpu.memory_space<vmem>> -> memref<1x80xi32, #tpu.memory_space<vmem>>
      %dma_wait3A_926 = tpu.memref_squeeze %dma_wait3A_925 : memref<1x80xi32, #tpu.memory_space<vmem>> -> memref<80xi32, #tpu.memory_space<vmem>>
      %dma_wait3A_927 = arith.constant 0 : i32
      %dma_wait3A_928 = tpu.memref_slice %arg3[%add3A, %dma_wait3A_916, %dma_wait3A_927] : memref<32x125x80xi32, #tpu.memory_space<hbm>> -> memref<1x1x80xi32, #tpu.memory_space<hbm>>
      %dma_wait3A_929 = tpu.memref_squeeze %dma_wait3A_928 : memref<1x1x80xi32, #tpu.memory_space<hbm>> -> memref<80xi32, #tpu.memory_space<hbm>>
      tpu.wait_dma2 semaphore(%arg11 : memref<!tpu.dma_semaphore, #tpu.memory_space<semaphore_mem>>) src(%dma_wait3A_929 : memref<80xi32, #tpu.memory_space<hbm>>) dst(%dma_wait3A_926 : memref<80xi32, #tpu.memory_space<vmem>>)
      %get3A_930 = arith.constant 0 : i32
      %get3A_931 = arith.index_cast %get3A_930 : i32 to index
      %get3A_932 = arith.constant 0 : index
      %get3A_933 = tpu.vector_load %arg9[%get3A_931, %get3A_932] {strides = array<i32>} : memref<3x80xi32, #tpu.memory_space<vmem>>, vector<16xi32>,
      tpu.vector_store_idx %arg10[%get3A_933], %broadcast_in_dim3A_76 {add = true} : memref<10000xf32, #tpu.memory_space<vmem>>[vector<16xi32>], vector<16xf32>,
      %get3A_934 = arith.constant 0 : i32
      %get3A_935 = arith.index_cast %get3A_934 : i32 to index
      %get3A_936 = arith.constant 16 : index
      %get3A_937 = tpu.vector_load %arg9[%get3A_935, %get3A_936] {strides = array<i32>} : memref<3x80xi32, #tpu.memory_space<vmem>>, vector<16xi32>,
      tpu.vector_store_idx %arg10[%get3A_937], %broadcast_in_dim3A_76 {add = true} : memref<10000xf32, #tpu.memory_space<vmem>>[vector<16xi32>], vector<16xf32>,
      %get3A_938 = arith.constant 0 : i32
      %get3A_939 = arith.index_cast %get3A_938 : i32 to index
      %get3A_940 = arith.constant 32 : index
      %get3A_941 = tpu.vector_load %arg9[%get3A_939, %get3A_940] {strides = array<i32>} : memref<3x80xi32, #tpu.memory_space<vmem>>, vector<16xi32>,
      tpu.vector_store_idx %arg10[%get3A_941], %broadcast_in_dim3A_76 {add = true} : memref<10000xf32, #tpu.memory_space<vmem>>[vector<16xi32>], vector<16xf32>,
      %get3A_942 = arith.constant 0 : i32
      %get3A_943 = arith.index_cast %get3A_942 : i32 to index
      %get3A_944 = arith.constant 48 : index
      %get3A_945 = tpu.vector_load %arg9[%get3A_943, %get3A_944] {strides = array<i32>} : memref<3x80xi32, #tpu.memory_space<vmem>>, vector<16xi32>,
      tpu.vector_store_idx %arg10[%get3A_945], %broadcast_in_dim3A_76 {add = true} : memref<10000xf32, #tpu.memory_space<vmem>>[vector<16xi32>], vector<16xf32>,
      %get3A_946 = arith.constant 0 : i32
      %get3A_947 = arith.index_cast %get3A_946 : i32 to index
      %get3A_948 = arith.constant 64 : index
      %get3A_949 = tpu.vector_load %arg9[%get3A_947, %get3A_948] {strides = array<i32>} : memref<3x80xi32, #tpu.memory_space<vmem>>, vector<16xi32>,
      tpu.vector_store_idx %arg10[%get3A_949], %broadcast_in_dim3A_76 {add = true} : memref<10000xf32, #tpu.memory_space<vmem>>[vector<16xi32>], vector<16xf32>,
      %dma_start3A_950 = arith.constant 0 : i32
      %dma_start3A_951 = arith.constant 0 : i32
      %dma_start3A_952 = arith.constant 0 : i32
      %dma_start3A_953 = arith.constant 0 : i32
      %dma_start3A_954 = tpu.memref_slice %arg8[%dma_start3A_950, %dma_start3A_952, %dma_start3A_953] : memref<3x80x128xf32, #tpu.memory_space<vmem>> -> memref<1x80x128xf32, #tpu.memory_space<vmem>>
      %dma_start3A_955 = tpu.memref_squeeze %dma_start3A_954 : memref<1x80x128xf32, #tpu.memory_space<vmem>> -> memref<80x128xf32, #tpu.memory_space<vmem>>
      %dma_start3A_956 = arith.constant 0 : i32
      %dma_start3A_957 = tpu.memref_slice %arg9[%dma_start3A_951, %dma_start3A_956] : memref<3x80xi32, #tpu.memory_space<vmem>> -> memref<1x80xi32, #tpu.memory_space<vmem>>
      %dma_start3A_958 = tpu.memref_squeeze %dma_start3A_957 : memref<1x80xi32, #tpu.memory_space<vmem>> -> memref<80xi32, #tpu.memory_space<vmem>>
      %dma_start3A_959 = arith.constant 0 : i32
      %dma_start3A_960 = arith.constant 0 : i32
      %dma_start3A_961 = tpu.memref_slice %arg7[%dma_start3A_959, %dma_start3A_960] : memref<10000x128xf32, #tpu.memory_space<vmem_shared>> -> memref<10000x128xf32, #tpu.memory_space<vmem_shared>>
      tpu.enqueue_indirect_dma source(%dma_start3A_955 : memref<80x128xf32, #tpu.memory_space<vmem>>) target(%dma_start3A_961 : memref<10000x128xf32, #tpu.memory_space<vmem_shared>>) offsets(%dma_start3A_958 : memref<80xi32, #tpu.memory_space<vmem>>) semaphore(%arg14 : memref<!tpu.dma_semaphore, #tpu.memory_space<semaphore_mem>>) {add = true}
      %scan3A_962 = arith.constant 0 : i32
      scf.yield %scan3A_962 : i32
    }
    %scan3A_240 = arith.constant 40 : i32
    %dma_wait3A_241 = arith.constant 0 : i32
    %dma_wait3A_242 = arith.constant 0 : i32
    %dma_wait3A_243 = arith.constant 0 : i32
    %dma_wait3A_244 = arith.constant 0 : i32
    %dma_wait3A_245 = tpu.memref_slice %arg8[%dma_wait3A_241, %dma_wait3A_243, %dma_wait3A_244] : memref<3x80x128xf32, #tpu.memory_space<vmem>> -> memref<1x80x128xf32, #tpu.memory_space<vmem>>
    %dma_wait3A_246 = tpu.memref_squeeze %dma_wait3A_245 : memref<1x80x128xf32, #tpu.memory_space<vmem>> -> memref<80x128xf32, #tpu.memory_space<vmem>>
    %dma_wait3A_247 = arith.constant 0 : i32
    %dma_wait3A_248 = tpu.memref_slice %arg9[%dma_wait3A_242, %dma_wait3A_247] : memref<3x80xi32, #tpu.memory_space<vmem>> -> memref<1x80xi32, #tpu.memory_space<vmem>>
    %dma_wait3A_249 = tpu.memref_squeeze %dma_wait3A_248 : memref<1x80xi32, #tpu.memory_space<vmem>> -> memref<80xi32, #tpu.memory_space<vmem>>
    %dma_wait3A_250 = arith.constant 0 : i32
    %dma_wait3A_251 = arith.constant 0 : i32
    %dma_wait3A_252 = tpu.memref_slice %arg7[%dma_wait3A_250, %dma_wait3A_251] : memref<10000x128xf32, #tpu.memory_space<vmem_shared>> -> memref<10000x128xf32, #tpu.memory_space<vmem_shared>>
    tpu.wait_indirect_dma semaphore(%arg14 : memref<!tpu.dma_semaphore, #tpu.memory_space<semaphore_mem>>) src(%dma_wait3A_246 : memref<80x128xf32, #tpu.memory_space<vmem>>) dst(%dma_wait3A_252 : memref<10000x128xf32, #tpu.memory_space<vmem_shared>>)
    %dma_start3A_253 = arith.constant 123 : i32
    %dma_start3A_254 = arith.constant 0 : i32
    %dma_start3A_255 = arith.constant 0 : i32
    %dma_start3A_256 = arith.constant 0 : i32
    %dma_start3A_257 = tpu.memref_slice %arg8[%dma_start3A_254, %dma_start3A_255, %dma_start3A_256] : memref<3x80x128xf32, #tpu.memory_space<vmem>> -> memref<1x80x128xf32, #tpu.memory_space<vmem>>
    %dma_start3A_258 = tpu.memref_squeeze %dma_start3A_257 : memref<1x80x128xf32, #tpu.memory_space<vmem>> -> memref<80x128xf32, #tpu.memory_space<vmem>>
    %dma_start3A_259 = arith.constant 0 : i32
    %dma_start3A_260 = arith.constant 0 : i32
    %dma_start3A_261 = tpu.memref_slice %arg2[%add3A, %dma_start3A_253, %dma_start3A_259, %dma_start3A_260] : memref<32x125x80x128xf32, #tpu.memory_space<hbm>> -> memref<1x1x80x128xf32, #tpu.memory_space<hbm>>
    %dma_start3A_262 = tpu.memref_squeeze %dma_start3A_261 : memref<1x1x80x128xf32, #tpu.memory_space<hbm>> -> memref<80x128xf32, #tpu.memory_space<hbm>>
    %dma_start3A_263 = arith.constant 0 : i32
    %dma_start3A_264 = arith.constant 0 : i32
    %dma_start3A_265 = tpu.memref_slice %arg8[%dma_start3A_254, %dma_start3A_263, %dma_start3A_264] : memref<3x80x128xf32, #tpu.memory_space<vmem>> -> memref<1x80x128xf32, #tpu.memory_space<vmem>>
    %dma_start3A_266 = tpu.memref_squeeze %dma_start3A_265 : memref<1x80x128xf32, #tpu.memory_space<vmem>> -> memref<80x128xf32, #tpu.memory_space<vmem>>
    %dma_start3A_267 = arith.constant 0 : i32
    %dma_start3A_268 = arith.constant 0 : i32
    %dma_start3A_269 = tpu.memref_slice %arg2[%add3A, %dma_start3A_253, %dma_start3A_267, %dma_start3A_268] : memref<32x125x80x128xf32, #tpu.memory_space<hbm>> -> memref<1x1x80x128xf32, #tpu.memory_space<hbm>>
    %dma_start3A_270 = tpu.memref_squeeze %dma_start3A_269 : memref<1x1x80x128xf32, #tpu.memory_space<hbm>> -> memref<80x128xf32, #tpu.memory_space<hbm>>
    tpu.enqueue_dma source(%dma_start3A_270 : memref<80x128xf32, #tpu.memory_space<hbm>>) target(%dma_start3A_266 : memref<80x128xf32, #tpu.memory_space<vmem>>) target_semaphore(%arg11 : memref<!tpu.dma_semaphore, #tpu.memory_space<semaphore_mem>>)
    %dma_start3A_271 = arith.constant 123 : i32
    %dma_start3A_272 = arith.constant 0 : i32
    %dma_start3A_273 = arith.constant 0 : i32
    %dma_start3A_274 = tpu.memref_slice %arg9[%dma_start3A_272, %dma_start3A_273] : memref<3x80xi32, #tpu.memory_space<vmem>> -> memref<1x80xi32, #tpu.memory_space<vmem>>
    %dma_start3A_275 = tpu.memref_squeeze %dma_start3A_274 : memref<1x80xi32, #tpu.memory_space<vmem>> -> memref<80xi32, #tpu.memory_space<vmem>>
    %dma_start3A_276 = arith.constant 0 : i32
    %dma_start3A_277 = tpu.memref_slice %arg3[%add3A, %dma_start3A_271, %dma_start3A_276] : memref<32x125x80xi32, #tpu.memory_space<hbm>> -> memref<1x1x80xi32, #tpu.memory_space<hbm>>
    %dma_start3A_278 = tpu.memref_squeeze %dma_start3A_277 : memref<1x1x80xi32, #tpu.memory_space<hbm>> -> memref<80xi32, #tpu.memory_space<hbm>>
    %dma_start3A_279 = arith.constant 0 : i32
    %dma_start3A_280 = tpu.memref_slice %arg9[%dma_start3A_272, %dma_start3A_279] : memref<3x80xi32, #tpu.memory_space<vmem>> -> memref<1x80xi32, #tpu.memory_space<vmem>>
    %dma_start3A_281 = tpu.memref_squeeze %dma_start3A_280 : memref<1x80xi32, #tpu.memory_space<vmem>> -> memref<80xi32, #tpu.memory_space<vmem>>
    %dma_start3A_282 = arith.constant 0 : i32
    %dma_start3A_283 = tpu.memref_slice %arg3[%add3A, %dma_start3A_271, %dma_start3A_282] : memref<32x125x80xi32, #tpu.memory_space<hbm>> -> memref<1x1x80xi32, #tpu.memory_space<hbm>>
    %dma_start3A_284 = tpu.memref_squeeze %dma_start3A_283 : memref<1x1x80xi32, #tpu.memory_space<hbm>> -> memref<80xi32, #tpu.memory_space<hbm>>
    tpu.enqueue_dma source(%dma_start3A_284 : memref<80xi32, #tpu.memory_space<hbm>>) target(%dma_start3A_281 : memref<80xi32, #tpu.memory_space<vmem>>) target_semaphore(%arg11 : memref<!tpu.dma_semaphore, #tpu.memory_space<semaphore_mem>>)
    %dma_wait3A_285 = arith.constant 0 : i32
    %dma_wait3A_286 = arith.constant 1 : i32
    %dma_wait3A_287 = arith.constant 0 : i32
    %dma_wait3A_288 = arith.constant 0 : i32
    %dma_wait3A_289 = tpu.memref_slice %arg8[%dma_wait3A_286, %dma_wait3A_287, %dma_wait3A_288] : memref<3x80x128xf32, #tpu.memory_space<vmem>> -> memref<1x80x128xf32, #tpu.memory_space<vmem>>
    %dma_wait3A_290 = tpu.memref_squeeze %dma_wait3A_289 : memref<1x80x128xf32, #tpu.memory_space<vmem>> -> memref<80x128xf32, #tpu.memory_space<vmem>>
    %dma_wait3A_291 = arith.constant 0 : i32
    %dma_wait3A_292 = arith.constant 0 : i32
    %dma_wait3A_293 = tpu.memref_slice %arg2[%add3A, %dma_wait3A_285, %dma_wait3A_291, %dma_wait3A_292] : memref<32x125x80x128xf32, #tpu.memory_space<hbm>> -> memref<1x1x80x128xf32, #tpu.memory_space<hbm>>
    %dma_wait3A_294 = tpu.memref_squeeze %dma_wait3A_293 : memref<1x1x80x128xf32, #tpu.memory_space<hbm>> -> memref<80x128xf32, #tpu.memory_space<hbm>>
    %dma_wait3A_295 = arith.constant 0 : i32
    %dma_wait3A_296 = arith.constant 0 : i32
    %dma_wait3A_297 = tpu.memref_slice %arg8[%dma_wait3A_286, %dma_wait3A_295, %dma_wait3A_296] : memref<3x80x128xf32, #tpu.memory_space<vmem>> -> memref<1x80x128xf32, #tpu.memory_space<vmem>>
    %dma_wait3A_298 = tpu.memref_squeeze %dma_wait3A_297 : memref<1x80x128xf32, #tpu.memory_space<vmem>> -> memref<80x128xf32, #tpu.memory_space<vmem>>
    %dma_wait3A_299 = arith.constant 0 : i32
    %dma_wait3A_300 = arith.constant 0 : i32
    %dma_wait3A_301 = tpu.memref_slice %arg2[%add3A, %dma_wait3A_285, %dma_wait3A_299, %dma_wait3A_300] : memref<32x125x80x128xf32, #tpu.memory_space<hbm>> -> memref<1x1x80x128xf32, #tpu.memory_space<hbm>>
    %dma_wait3A_302 = tpu.memref_squeeze %dma_wait3A_301 : memref<1x1x80x128xf32, #tpu.memory_space<hbm>> -> memref<80x128xf32, #tpu.memory_space<hbm>>
    tpu.wait_dma2 semaphore(%arg12 : memref<!tpu.dma_semaphore, #tpu.memory_space<semaphore_mem>>) src(%dma_wait3A_302 : memref<80x128xf32, #tpu.memory_space<hbm>>) dst(%dma_wait3A_298 : memref<80x128xf32, #tpu.memory_space<vmem>>)
    %dma_wait3A_303 = arith.constant 0 : i32
    %dma_wait3A_304 = arith.constant 1 : i32
    %dma_wait3A_305 = arith.constant 0 : i32
    %dma_wait3A_306 = tpu.memref_slice %arg9[%dma_wait3A_304, %dma_wait3A_305] : memref<3x80xi32, #tpu.memory_space<vmem>> -> memref<1x80xi32, #tpu.memory_space<vmem>>
    %dma_wait3A_307 = tpu.memref_squeeze %dma_wait3A_306 : memref<1x80xi32, #tpu.memory_space<vmem>> -> memref<80xi32, #tpu.memory_space<vmem>>
    %dma_wait3A_308 = arith.constant 0 : i32
    %dma_wait3A_309 = tpu.memref_slice %arg3[%add3A, %dma_wait3A_303, %dma_wait3A_308] : memref<32x125x80xi32, #tpu.memory_space<hbm>> -> memref<1x1x80xi32, #tpu.memory_space<hbm>>
    %dma_wait3A_310 = tpu.memref_squeeze %dma_wait3A_309 : memref<1x1x80xi32, #tpu.memory_space<hbm>> -> memref<80xi32, #tpu.memory_space<hbm>>
    %dma_wait3A_311 = arith.constant 0 : i32
    %dma_wait3A_312 = tpu.memref_slice %arg9[%dma_wait3A_304, %dma_wait3A_311] : memref<3x80xi32, #tpu.memory_space<vmem>> -> memref<1x80xi32, #tpu.memory_space<vmem>>
    %dma_wait3A_313 = tpu.memref_squeeze %dma_wait3A_312 : memref<1x80xi32, #tpu.memory_space<vmem>> -> memref<80xi32, #tpu.memory_space<vmem>>
    %dma_wait3A_314 = arith.constant 0 : i32
    %dma_wait3A_315 = tpu.memref_slice %arg3[%add3A, %dma_wait3A_303, %dma_wait3A_314] : memref<32x125x80xi32, #tpu.memory_space<hbm>> -> memref<1x1x80xi32, #tpu.memory_space<hbm>>
    %dma_wait3A_316 = tpu.memref_squeeze %dma_wait3A_315 : memref<1x1x80xi32, #tpu.memory_space<hbm>> -> memref<80xi32, #tpu.memory_space<hbm>>
    tpu.wait_dma2 semaphore(%arg12 : memref<!tpu.dma_semaphore, #tpu.memory_space<semaphore_mem>>) src(%dma_wait3A_316 : memref<80xi32, #tpu.memory_space<hbm>>) dst(%dma_wait3A_313 : memref<80xi32, #tpu.memory_space<vmem>>)
    %get3A_317 = arith.constant 1 : i32
    %get3A_318 = arith.index_cast %get3A_317 : i32 to index
    %get3A_319 = arith.constant 0 : index
    %get3A_320 = tpu.vector_load %arg9[%get3A_318, %get3A_319] {strides = array<i32>} : memref<3x80xi32, #tpu.memory_space<vmem>>, vector<16xi32>,
    tpu.vector_store_idx %arg10[%get3A_320], %broadcast_in_dim3A_76 {add = true} : memref<10000xf32, #tpu.memory_space<vmem>>[vector<16xi32>], vector<16xf32>,
    %get3A_321 = arith.constant 1 : i32
    %get3A_322 = arith.index_cast %get3A_321 : i32 to index
    %get3A_323 = arith.constant 16 : index
    %get3A_324 = tpu.vector_load %arg9[%get3A_322, %get3A_323] {strides = array<i32>} : memref<3x80xi32, #tpu.memory_space<vmem>>, vector<16xi32>,
    tpu.vector_store_idx %arg10[%get3A_324], %broadcast_in_dim3A_76 {add = true} : memref<10000xf32, #tpu.memory_space<vmem>>[vector<16xi32>], vector<16xf32>,
    %get3A_325 = arith.constant 1 : i32
    %get3A_326 = arith.index_cast %get3A_325 : i32 to index
    %get3A_327 = arith.constant 32 : index
    %get3A_328 = tpu.vector_load %arg9[%get3A_326, %get3A_327] {strides = array<i32>} : memref<3x80xi32, #tpu.memory_space<vmem>>, vector<16xi32>,
    tpu.vector_store_idx %arg10[%get3A_328], %broadcast_in_dim3A_76 {add = true} : memref<10000xf32, #tpu.memory_space<vmem>>[vector<16xi32>], vector<16xf32>,
    %get3A_329 = arith.constant 1 : i32
    %get3A_330 = arith.index_cast %get3A_329 : i32 to index
    %get3A_331 = arith.constant 48 : index
    %get3A_332 = tpu.vector_load %arg9[%get3A_330, %get3A_331] {strides = array<i32>} : memref<3x80xi32, #tpu.memory_space<vmem>>, vector<16xi32>,
    tpu.vector_store_idx %arg10[%get3A_332], %broadcast_in_dim3A_76 {add = true} : memref<10000xf32, #tpu.memory_space<vmem>>[vector<16xi32>], vector<16xf32>,
    %get3A_333 = arith.constant 1 : i32
    %get3A_334 = arith.index_cast %get3A_333 : i32 to index
    %get3A_335 = arith.constant 64 : index
    %get3A_336 = tpu.vector_load %arg9[%get3A_334, %get3A_335] {strides = array<i32>} : memref<3x80xi32, #tpu.memory_space<vmem>>, vector<16xi32>,
    tpu.vector_store_idx %arg10[%get3A_336], %broadcast_in_dim3A_76 {add = true} : memref<10000xf32, #tpu.memory_space<vmem>>[vector<16xi32>], vector<16xf32>,
    %dma_start3A_337 = arith.constant 1 : i32
    %dma_start3A_338 = arith.constant 1 : i32
    %dma_start3A_339 = arith.constant 0 : i32
    %dma_start3A_340 = arith.constant 0 : i32
    %dma_start3A_341 = tpu.memref_slice %arg8[%dma_start3A_337, %dma_start3A_339, %dma_start3A_340] : memref<3x80x128xf32, #tpu.memory_space<vmem>> -> memref<1x80x128xf32, #tpu.memory_space<vmem>>
    %dma_start3A_342 = tpu.memref_squeeze %dma_start3A_341 : memref<1x80x128xf32, #tpu.memory_space<vmem>> -> memref<80x128xf32, #tpu.memory_space<vmem>>
    %dma_start3A_343 = arith.constant 0 : i32
    %dma_start3A_344 = tpu.memref_slice %arg9[%dma_start3A_338, %dma_start3A_343] : memref<3x80xi32, #tpu.memory_space<vmem>> -> memref<1x80xi32, #tpu.memory_space<vmem>>
    %dma_start3A_345 = tpu.memref_squeeze %dma_start3A_344 : memref<1x80xi32, #tpu.memory_space<vmem>> -> memref<80xi32, #tpu.memory_space<vmem>>
    %dma_start3A_346 = arith.constant 0 : i32
    %dma_start3A_347 = arith.constant 0 : i32
    %dma_start3A_348 = tpu.memref_slice %arg7[%dma_start3A_346, %dma_start3A_347] : memref<10000x128xf32, #tpu.memory_space<vmem_shared>> -> memref<10000x128xf32, #tpu.memory_space<vmem_shared>>
    tpu.enqueue_indirect_dma source(%dma_start3A_342 : memref<80x128xf32, #tpu.memory_space<vmem>>) target(%dma_start3A_348 : memref<10000x128xf32, #tpu.memory_space<vmem_shared>>) offsets(%dma_start3A_345 : memref<80xi32, #tpu.memory_space<vmem>>) semaphore(%arg15 : memref<!tpu.dma_semaphore, #tpu.memory_space<semaphore_mem>>) {add = true}
    %dma_wait3A_349 = arith.constant 1 : i32
    %dma_wait3A_350 = arith.constant 1 : i32
    %dma_wait3A_351 = arith.constant 0 : i32
    %dma_wait3A_352 = arith.constant 0 : i32
    %dma_wait3A_353 = tpu.memref_slice %arg8[%dma_wait3A_349, %dma_wait3A_351, %dma_wait3A_352] : memref<3x80x128xf32, #tpu.memory_space<vmem>> -> memref<1x80x128xf32, #tpu.memory_space<vmem>>
    %dma_wait3A_354 = tpu.memref_squeeze %dma_wait3A_353 : memref<1x80x128xf32, #tpu.memory_space<vmem>> -> memref<80x128xf32, #tpu.memory_space<vmem>>
    %dma_wait3A_355 = arith.constant 0 : i32
    %dma_wait3A_356 = tpu.memref_slice %arg9[%dma_wait3A_350, %dma_wait3A_355] : memref<3x80xi32, #tpu.memory_space<vmem>> -> memref<1x80xi32, #tpu.memory_space<vmem>>
    %dma_wait3A_357 = tpu.memref_squeeze %dma_wait3A_356 : memref<1x80xi32, #tpu.memory_space<vmem>> -> memref<80xi32, #tpu.memory_space<vmem>>
    %dma_wait3A_358 = arith.constant 0 : i32
    %dma_wait3A_359 = arith.constant 0 : i32
    %dma_wait3A_360 = tpu.memref_slice %arg7[%dma_wait3A_358, %dma_wait3A_359] : memref<10000x128xf32, #tpu.memory_space<vmem_shared>> -> memref<10000x128xf32, #tpu.memory_space<vmem_shared>>
    tpu.wait_indirect_dma semaphore(%arg15 : memref<!tpu.dma_semaphore, #tpu.memory_space<semaphore_mem>>) src(%dma_wait3A_354 : memref<80x128xf32, #tpu.memory_space<vmem>>) dst(%dma_wait3A_360 : memref<10000x128xf32, #tpu.memory_space<vmem_shared>>)
    %dma_start3A_361 = arith.constant 124 : i32
    %dma_start3A_362 = arith.constant 1 : i32
    %dma_start3A_363 = arith.constant 0 : i32
    %dma_start3A_364 = arith.constant 0 : i32
    %dma_start3A_365 = tpu.memref_slice %arg8[%dma_start3A_362, %dma_start3A_363, %dma_start3A_364] : memref<3x80x128xf32, #tpu.memory_space<vmem>> -> memref<1x80x128xf32, #tpu.memory_space<vmem>>
    %dma_start3A_366 = tpu.memref_squeeze %dma_start3A_365 : memref<1x80x128xf32, #tpu.memory_space<vmem>> -> memref<80x128xf32, #tpu.memory_space<vmem>>
    %dma_start3A_367 = arith.constant 0 : i32
    %dma_start3A_368 = arith.constant 0 : i32
    %dma_start3A_369 = tpu.memref_slice %arg2[%add3A, %dma_start3A_361, %dma_start3A_367, %dma_start3A_368] : memref<32x125x80x128xf32, #tpu.memory_space<hbm>> -> memref<1x1x80x128xf32, #tpu.memory_space<hbm>>
    %dma_start3A_370 = tpu.memref_squeeze %dma_start3A_369 : memref<1x1x80x128xf32, #tpu.memory_space<hbm>> -> memref<80x128xf32, #tpu.memory_space<hbm>>
    %dma_start3A_371 = arith.constant 0 : i32
    %dma_start3A_372 = arith.constant 0 : i32
    %dma_start3A_373 = tpu.memref_slice %arg8[%dma_start3A_362, %dma_start3A_371, %dma_start3A_372] : memref<3x80x128xf32, #tpu.memory_space<vmem>> -> memref<1x80x128xf32, #tpu.memory_space<vmem>>
    %dma_start3A_374 = tpu.memref_squeeze %dma_start3A_373 : memref<1x80x128xf32, #tpu.memory_space<vmem>> -> memref<80x128xf32, #tpu.memory_space<vmem>>
    %dma_start3A_375 = arith.constant 0 : i32
    %dma_start3A_376 = arith.constant 0 : i32
    %dma_start3A_377 = tpu.memref_slice %arg2[%add3A, %dma_start3A_361, %dma_start3A_375, %dma_start3A_376] : memref<32x125x80x128xf32, #tpu.memory_space<hbm>> -> memref<1x1x80x128xf32, #tpu.memory_space<hbm>>
    %dma_start3A_378 = tpu.memref_squeeze %dma_start3A_377 : memref<1x1x80x128xf32, #tpu.memory_space<hbm>> -> memref<80x128xf32, #tpu.memory_space<hbm>>
    tpu.enqueue_dma source(%dma_start3A_378 : memref<80x128xf32, #tpu.memory_space<hbm>>) target(%dma_start3A_374 : memref<80x128xf32, #tpu.memory_space<vmem>>) target_semaphore(%arg12 : memref<!tpu.dma_semaphore, #tpu.memory_space<semaphore_mem>>)
    %dma_start3A_379 = arith.constant 124 : i32
    %dma_start3A_380 = arith.constant 1 : i32
    %dma_start3A_381 = arith.constant 0 : i32
    %dma_start3A_382 = tpu.memref_slice %arg9[%dma_start3A_380, %dma_start3A_381] : memref<3x80xi32, #tpu.memory_space<vmem>> -> memref<1x80xi32, #tpu.memory_space<vmem>>
    %dma_start3A_383 = tpu.memref_squeeze %dma_start3A_382 : memref<1x80xi32, #tpu.memory_space<vmem>> -> memref<80xi32, #tpu.memory_space<vmem>>
    %dma_start3A_384 = arith.constant 0 : i32
    %dma_start3A_385 = tpu.memref_slice %arg3[%add3A, %dma_start3A_379, %dma_start3A_384] : memref<32x125x80xi32, #tpu.memory_space<hbm>> -> memref<1x1x80xi32, #tpu.memory_space<hbm>>
    %dma_start3A_386 = tpu.memref_squeeze %dma_start3A_385 : memref<1x1x80xi32, #tpu.memory_space<hbm>> -> memref<80xi32, #tpu.memory_space<hbm>>
    %dma_start3A_387 = arith.constant 0 : i32
    %dma_start3A_388 = tpu.memref_slice %arg9[%dma_start3A_380, %dma_start3A_387] : memref<3x80xi32, #tpu.memory_space<vmem>> -> memref<1x80xi32, #tpu.memory_space<vmem>>
    %dma_start3A_389 = tpu.memref_squeeze %dma_start3A_388 : memref<1x80xi32, #tpu.memory_space<vmem>> -> memref<80xi32, #tpu.memory_space<vmem>>
    %dma_start3A_390 = arith.constant 0 : i32
    %dma_start3A_391 = tpu.memref_slice %arg3[%add3A, %dma_start3A_379, %dma_start3A_390] : memref<32x125x80xi32, #tpu.memory_space<hbm>> -> memref<1x1x80xi32, #tpu.memory_space<hbm>>
    %dma_start3A_392 = tpu.memref_squeeze %dma_start3A_391 : memref<1x1x80xi32, #tpu.memory_space<hbm>> -> memref<80xi32, #tpu.memory_space<hbm>>
    tpu.enqueue_dma source(%dma_start3A_392 : memref<80xi32, #tpu.memory_space<hbm>>) target(%dma_start3A_389 : memref<80xi32, #tpu.memory_space<vmem>>) target_semaphore(%arg12 : memref<!tpu.dma_semaphore, #tpu.memory_space<semaphore_mem>>)
    %dma_wait3A_393 = arith.constant 0 : i32
    %dma_wait3A_394 = arith.constant 2 : i32
    %dma_wait3A_395 = arith.constant 0 : i32
    %dma_wait3A_396 = arith.constant 0 : i32
    %dma_wait3A_397 = tpu.memref_slice %arg8[%dma_wait3A_394, %dma_wait3A_395, %dma_wait3A_396] : memref<3x80x128xf32, #tpu.memory_space<vmem>> -> memref<1x80x128xf32, #tpu.memory_space<vmem>>
    %dma_wait3A_398 = tpu.memref_squeeze %dma_wait3A_397 : memref<1x80x128xf32, #tpu.memory_space<vmem>> -> memref<80x128xf32, #tpu.memory_space<vmem>>
    %dma_wait3A_399 = arith.constant 0 : i32
    %dma_wait3A_400 = arith.constant 0 : i32
    %dma_wait3A_401 = tpu.memref_slice %arg2[%add3A, %dma_wait3A_393, %dma_wait3A_399, %dma_wait3A_400] : memref<32x125x80x128xf32, #tpu.memory_space<hbm>> -> memref<1x1x80x128xf32, #tpu.memory_space<hbm>>
    %dma_wait3A_402 = tpu.memref_squeeze %dma_wait3A_401 : memref<1x1x80x128xf32, #tpu.memory_space<hbm>> -> memref<80x128xf32, #tpu.memory_space<hbm>>
    %dma_wait3A_403 = arith.constant 0 : i32
    %dma_wait3A_404 = arith.constant 0 : i32
    %dma_wait3A_405 = tpu.memref_slice %arg8[%dma_wait3A_394, %dma_wait3A_403, %dma_wait3A_404] : memref<3x80x128xf32, #tpu.memory_space<vmem>> -> memref<1x80x128xf32, #tpu.memory_space<vmem>>
    %dma_wait3A_406 = tpu.memref_squeeze %dma_wait3A_405 : memref<1x80x128xf32, #tpu.memory_space<vmem>> -> memref<80x128xf32, #tpu.memory_space<vmem>>
    %dma_wait3A_407 = arith.constant 0 : i32
    %dma_wait3A_408 = arith.constant 0 : i32
    %dma_wait3A_409 = tpu.memref_slice %arg2[%add3A, %dma_wait3A_393, %dma_wait3A_407, %dma_wait3A_408] : memref<32x125x80x128xf32, #tpu.memory_space<hbm>> -> memref<1x1x80x128xf32, #tpu.memory_space<hbm>>
    %dma_wait3A_410 = tpu.memref_squeeze %dma_wait3A_409 : memref<1x1x80x128xf32, #tpu.memory_space<hbm>> -> memref<80x128xf32, #tpu.memory_space<hbm>>
    tpu.wait_dma2 semaphore(%arg13 : memref<!tpu.dma_semaphore, #tpu.memory_space<semaphore_mem>>) src(%dma_wait3A_410 : memref<80x128xf32, #tpu.memory_space<hbm>>) dst(%dma_wait3A_406 : memref<80x128xf32, #tpu.memory_space<vmem>>)
    %dma_wait3A_411 = arith.constant 0 : i32
    %dma_wait3A_412 = arith.constant 2 : i32
    %dma_wait3A_413 = arith.constant 0 : i32
    %dma_wait3A_414 = tpu.memref_slice %arg9[%dma_wait3A_412, %dma_wait3A_413] : memref<3x80xi32, #tpu.memory_space<vmem>> -> memref<1x80xi32, #tpu.memory_space<vmem>>
    %dma_wait3A_415 = tpu.memref_squeeze %dma_wait3A_414 : memref<1x80xi32, #tpu.memory_space<vmem>> -> memref<80xi32, #tpu.memory_space<vmem>>
    %dma_wait3A_416 = arith.constant 0 : i32
    %dma_wait3A_417 = tpu.memref_slice %arg3[%add3A, %dma_wait3A_411, %dma_wait3A_416] : memref<32x125x80xi32, #tpu.memory_space<hbm>> -> memref<1x1x80xi32, #tpu.memory_space<hbm>>
    %dma_wait3A_418 = tpu.memref_squeeze %dma_wait3A_417 : memref<1x1x80xi32, #tpu.memory_space<hbm>> -> memref<80xi32, #tpu.memory_space<hbm>>
    %dma_wait3A_419 = arith.constant 0 : i32
    %dma_wait3A_420 = tpu.memref_slice %arg9[%dma_wait3A_412, %dma_wait3A_419] : memref<3x80xi32, #tpu.memory_space<vmem>> -> memref<1x80xi32, #tpu.memory_space<vmem>>
    %dma_wait3A_421 = tpu.memref_squeeze %dma_wait3A_420 : memref<1x80xi32, #tpu.memory_space<vmem>> -> memref<80xi32, #tpu.memory_space<vmem>>
    %dma_wait3A_422 = arith.constant 0 : i32
    %dma_wait3A_423 = tpu.memref_slice %arg3[%add3A, %dma_wait3A_411, %dma_wait3A_422] : memref<32x125x80xi32, #tpu.memory_space<hbm>> -> memref<1x1x80xi32, #tpu.memory_space<hbm>>
    %dma_wait3A_424 = tpu.memref_squeeze %dma_wait3A_423 : memref<1x1x80xi32, #tpu.memory_space<hbm>> -> memref<80xi32, #tpu.memory_space<hbm>>
    tpu.wait_dma2 semaphore(%arg13 : memref<!tpu.dma_semaphore, #tpu.memory_space<semaphore_mem>>) src(%dma_wait3A_424 : memref<80xi32, #tpu.memory_space<hbm>>) dst(%dma_wait3A_421 : memref<80xi32, #tpu.memory_space<vmem>>)
    %get3A_425 = arith.constant 2 : i32
    %get3A_426 = arith.index_cast %get3A_425 : i32 to index
    %get3A_427 = arith.constant 0 : index
    %get3A_428 = tpu.vector_load %arg9[%get3A_426, %get3A_427] {strides = array<i32>} : memref<3x80xi32, #tpu.memory_space<vmem>>, vector<16xi32>,
    tpu.vector_store_idx %arg10[%get3A_428], %broadcast_in_dim3A_76 {add = true} : memref<10000xf32, #tpu.memory_space<vmem>>[vector<16xi32>], vector<16xf32>,
    %get3A_429 = arith.constant 2 : i32
    %get3A_430 = arith.index_cast %get3A_429 : i32 to index
    %get3A_431 = arith.constant 16 : index
    %get3A_432 = tpu.vector_load %arg9[%get3A_430, %get3A_431] {strides = array<i32>} : memref<3x80xi32, #tpu.memory_space<vmem>>, vector<16xi32>,
    tpu.vector_store_idx %arg10[%get3A_432], %broadcast_in_dim3A_76 {add = true} : memref<10000xf32, #tpu.memory_space<vmem>>[vector<16xi32>], vector<16xf32>,
    %get3A_433 = arith.constant 2 : i32
    %get3A_434 = arith.index_cast %get3A_433 : i32 to index
    %get3A_435 = arith.constant 32 : index
    %get3A_436 = tpu.vector_load %arg9[%get3A_434, %get3A_435] {strides = array<i32>} : memref<3x80xi32, #tpu.memory_space<vmem>>, vector<16xi32>,
    tpu.vector_store_idx %arg10[%get3A_436], %broadcast_in_dim3A_76 {add = true} : memref<10000xf32, #tpu.memory_space<vmem>>[vector<16xi32>], vector<16xf32>,
    %get3A_437 = arith.constant 2 : i32
    %get3A_438 = arith.index_cast %get3A_437 : i32 to index
    %get3A_439 = arith.constant 48 : index
    %get3A_440 = tpu.vector_load %arg9[%get3A_438, %get3A_439] {strides = array<i32>} : memref<3x80xi32, #tpu.memory_space<vmem>>, vector<16xi32>,
    tpu.vector_store_idx %arg10[%get3A_440], %broadcast_in_dim3A_76 {add = true} : memref<10000xf32, #tpu.memory_space<vmem>>[vector<16xi32>], vector<16xf32>,
    %get3A_441 = arith.constant 2 : i32
    %get3A_442 = arith.index_cast %get3A_441 : i32 to index
    %get3A_443 = arith.constant 64 : index
    %get3A_444 = tpu.vector_load %arg9[%get3A_442, %get3A_443] {strides = array<i32>} : memref<3x80xi32, #tpu.memory_space<vmem>>, vector<16xi32>,
    tpu.vector_store_idx %arg10[%get3A_444], %broadcast_in_dim3A_76 {add = true} : memref<10000xf32, #tpu.memory_space<vmem>>[vector<16xi32>], vector<16xf32>,
    %dma_start3A_445 = arith.constant 2 : i32
    %dma_start3A_446 = arith.constant 2 : i32
    %dma_start3A_447 = arith.constant 0 : i32
    %dma_start3A_448 = arith.constant 0 : i32
    %dma_start3A_449 = tpu.memref_slice %arg8[%dma_start3A_445, %dma_start3A_447, %dma_start3A_448] : memref<3x80x128xf32, #tpu.memory_space<vmem>> -> memref<1x80x128xf32, #tpu.memory_space<vmem>>
    %dma_start3A_450 = tpu.memref_squeeze %dma_start3A_449 : memref<1x80x128xf32, #tpu.memory_space<vmem>> -> memref<80x128xf32, #tpu.memory_space<vmem>>
    %dma_start3A_451 = arith.constant 0 : i32
    %dma_start3A_452 = tpu.memref_slice %arg9[%dma_start3A_446, %dma_start3A_451] : memref<3x80xi32, #tpu.memory_space<vmem>> -> memref<1x80xi32, #tpu.memory_space<vmem>>
    %dma_start3A_453 = tpu.memref_squeeze %dma_start3A_452 : memref<1x80xi32, #tpu.memory_space<vmem>> -> memref<80xi32, #tpu.memory_space<vmem>>
    %dma_start3A_454 = arith.constant 0 : i32
    %dma_start3A_455 = arith.constant 0 : i32
    %dma_start3A_456 = tpu.memref_slice %arg7[%dma_start3A_454, %dma_start3A_455] : memref<10000x128xf32, #tpu.memory_space<vmem_shared>> -> memref<10000x128xf32, #tpu.memory_space<vmem_shared>>
    tpu.enqueue_indirect_dma source(%dma_start3A_450 : memref<80x128xf32, #tpu.memory_space<vmem>>) target(%dma_start3A_456 : memref<10000x128xf32, #tpu.memory_space<vmem_shared>>) offsets(%dma_start3A_453 : memref<80xi32, #tpu.memory_space<vmem>>) semaphore(%arg16 : memref<!tpu.dma_semaphore, #tpu.memory_space<semaphore_mem>>) {add = true}
    %dma_wait3A_457 = arith.constant 0 : i32
    %dma_wait3A_458 = arith.constant 0 : i32
    %dma_wait3A_459 = arith.constant 0 : i32
    %dma_wait3A_460 = arith.constant 0 : i32
    %dma_wait3A_461 = tpu.memref_slice %arg8[%dma_wait3A_458, %dma_wait3A_459, %dma_wait3A_460] : memref<3x80x128xf32, #tpu.memory_space<vmem>> -> memref<1x80x128xf32, #tpu.memory_space<vmem>>
    %dma_wait3A_462 = tpu.memref_squeeze %dma_wait3A_461 : memref<1x80x128xf32, #tpu.memory_space<vmem>> -> memref<80x128xf32, #tpu.memory_space<vmem>>
    %dma_wait3A_463 = arith.constant 0 : i32
    %dma_wait3A_464 = arith.constant 0 : i32
    %dma_wait3A_465 = tpu.memref_slice %arg2[%add3A, %dma_wait3A_457, %dma_wait3A_463, %dma_wait3A_464] : memref<32x125x80x128xf32, #tpu.memory_space<hbm>> -> memref<1x1x80x128xf32, #tpu.memory_space<hbm>>
    %dma_wait3A_466 = tpu.memref_squeeze %dma_wait3A_465 : memref<1x1x80x128xf32, #tpu.memory_space<hbm>> -> memref<80x128xf32, #tpu.memory_space<hbm>>
    %dma_wait3A_467 = arith.constant 0 : i32
    %dma_wait3A_468 = arith.constant 0 : i32
    %dma_wait3A_469 = tpu.memref_slice %arg8[%dma_wait3A_458, %dma_wait3A_467, %dma_wait3A_468] : memref<3x80x128xf32, #tpu.memory_space<vmem>> -> memref<1x80x128xf32, #tpu.memory_space<vmem>>
    %dma_wait3A_470 = tpu.memref_squeeze %dma_wait3A_469 : memref<1x80x128xf32, #tpu.memory_space<vmem>> -> memref<80x128xf32, #tpu.memory_space<vmem>>
    %dma_wait3A_471 = arith.constant 0 : i32
    %dma_wait3A_472 = arith.constant 0 : i32
    %dma_wait3A_473 = tpu.memref_slice %arg2[%add3A, %dma_wait3A_457, %dma_wait3A_471, %dma_wait3A_472] : memref<32x125x80x128xf32, #tpu.memory_space<hbm>> -> memref<1x1x80x128xf32, #tpu.memory_space<hbm>>
    %dma_wait3A_474 = tpu.memref_squeeze %dma_wait3A_473 : memref<1x1x80x128xf32, #tpu.memory_space<hbm>> -> memref<80x128xf32, #tpu.memory_space<hbm>>
    tpu.wait_dma2 semaphore(%arg11 : memref<!tpu.dma_semaphore, #tpu.memory_space<semaphore_mem>>) src(%dma_wait3A_474 : memref<80x128xf32, #tpu.memory_space<hbm>>) dst(%dma_wait3A_470 : memref<80x128xf32, #tpu.memory_space<vmem>>)
    %dma_wait3A_475 = arith.constant 0 : i32
    %dma_wait3A_476 = arith.constant 0 : i32
    %dma_wait3A_477 = arith.constant 0 : i32
    %dma_wait3A_478 = tpu.memref_slice %arg9[%dma_wait3A_476, %dma_wait3A_477] : memref<3x80xi32, #tpu.memory_space<vmem>> -> memref<1x80xi32, #tpu.memory_space<vmem>>
    %dma_wait3A_479 = tpu.memref_squeeze %dma_wait3A_478 : memref<1x80xi32, #tpu.memory_space<vmem>> -> memref<80xi32, #tpu.memory_space<vmem>>
    %dma_wait3A_480 = arith.constant 0 : i32
    %dma_wait3A_481 = tpu.memref_slice %arg3[%add3A, %dma_wait3A_475, %dma_wait3A_480] : memref<32x125x80xi32, #tpu.memory_space<hbm>> -> memref<1x1x80xi32, #tpu.memory_space<hbm>>
    %dma_wait3A_482 = tpu.memref_squeeze %dma_wait3A_481 : memref<1x1x80xi32, #tpu.memory_space<hbm>> -> memref<80xi32, #tpu.memory_space<hbm>>
    %dma_wait3A_483 = arith.constant 0 : i32
    %dma_wait3A_484 = tpu.memref_slice %arg9[%dma_wait3A_476, %dma_wait3A_483] : memref<3x80xi32, #tpu.memory_space<vmem>> -> memref<1x80xi32, #tpu.memory_space<vmem>>
    %dma_wait3A_485 = tpu.memref_squeeze %dma_wait3A_484 : memref<1x80xi32, #tpu.memory_space<vmem>> -> memref<80xi32, #tpu.memory_space<vmem>>
    %dma_wait3A_486 = arith.constant 0 : i32
    %dma_wait3A_487 = tpu.memref_slice %arg3[%add3A, %dma_wait3A_475, %dma_wait3A_486] : memref<32x125x80xi32, #tpu.memory_space<hbm>> -> memref<1x1x80xi32, #tpu.memory_space<hbm>>
    %dma_wait3A_488 = tpu.memref_squeeze %dma_wait3A_487 : memref<1x1x80xi32, #tpu.memory_space<hbm>> -> memref<80xi32, #tpu.memory_space<hbm>>
    tpu.wait_dma2 semaphore(%arg11 : memref<!tpu.dma_semaphore, #tpu.memory_space<semaphore_mem>>) src(%dma_wait3A_488 : memref<80xi32, #tpu.memory_space<hbm>>) dst(%dma_wait3A_485 : memref<80xi32, #tpu.memory_space<vmem>>)
    %get3A_489 = arith.constant 0 : i32
    %get3A_490 = arith.index_cast %get3A_489 : i32 to index
    %get3A_491 = arith.constant 0 : index
    %get3A_492 = tpu.vector_load %arg9[%get3A_490, %get3A_491] {strides = array<i32>} : memref<3x80xi32, #tpu.memory_space<vmem>>, vector<16xi32>,
    tpu.vector_store_idx %arg10[%get3A_492], %broadcast_in_dim3A_76 {add = true} : memref<10000xf32, #tpu.memory_space<vmem>>[vector<16xi32>], vector<16xf32>,
    %get3A_493 = arith.constant 0 : i32
    %get3A_494 = arith.index_cast %get3A_493 : i32 to index
    %get3A_495 = arith.constant 16 : index
    %get3A_496 = tpu.vector_load %arg9[%get3A_494, %get3A_495] {strides = array<i32>} : memref<3x80xi32, #tpu.memory_space<vmem>>, vector<16xi32>,
    tpu.vector_store_idx %arg10[%get3A_496], %broadcast_in_dim3A_76 {add = true} : memref<10000xf32, #tpu.memory_space<vmem>>[vector<16xi32>], vector<16xf32>,
    %get3A_497 = arith.constant 0 : i32
    %get3A_498 = arith.index_cast %get3A_497 : i32 to index
    %get3A_499 = arith.constant 32 : index
    %get3A_500 = tpu.vector_load %arg9[%get3A_498, %get3A_499] {strides = array<i32>} : memref<3x80xi32, #tpu.memory_space<vmem>>, vector<16xi32>,
    tpu.vector_store_idx %arg10[%get3A_500], %broadcast_in_dim3A_76 {add = true} : memref<10000xf32, #tpu.memory_space<vmem>>[vector<16xi32>], vector<16xf32>,
    %get3A_501 = arith.constant 0 : i32
    %get3A_502 = arith.index_cast %get3A_501 : i32 to index
    %get3A_503 = arith.constant 48 : index
    %get3A_504 = tpu.vector_load %arg9[%get3A_502, %get3A_503] {strides = array<i32>} : memref<3x80xi32, #tpu.memory_space<vmem>>, vector<16xi32>,
    tpu.vector_store_idx %arg10[%get3A_504], %broadcast_in_dim3A_76 {add = true} : memref<10000xf32, #tpu.memory_space<vmem>>[vector<16xi32>], vector<16xf32>,
    %get3A_505 = arith.constant 0 : i32
    %get3A_506 = arith.index_cast %get3A_505 : i32 to index
    %get3A_507 = arith.constant 64 : index
    %get3A_508 = tpu.vector_load %arg9[%get3A_506, %get3A_507] {strides = array<i32>} : memref<3x80xi32, #tpu.memory_space<vmem>>, vector<16xi32>,
    tpu.vector_store_idx %arg10[%get3A_508], %broadcast_in_dim3A_76 {add = true} : memref<10000xf32, #tpu.memory_space<vmem>>[vector<16xi32>], vector<16xf32>,
    %dma_start3A_509 = arith.constant 0 : i32
    %dma_start3A_510 = arith.constant 0 : i32
    %dma_start3A_511 = arith.constant 0 : i32
    %dma_start3A_512 = arith.constant 0 : i32
    %dma_start3A_513 = tpu.memref_slice %arg8[%dma_start3A_509, %dma_start3A_511, %dma_start3A_512] : memref<3x80x128xf32, #tpu.memory_space<vmem>> -> memref<1x80x128xf32, #tpu.memory_space<vmem>>
    %dma_start3A_514 = tpu.memref_squeeze %dma_start3A_513 : memref<1x80x128xf32, #tpu.memory_space<vmem>> -> memref<80x128xf32, #tpu.memory_space<vmem>>
    %dma_start3A_515 = arith.constant 0 : i32
    %dma_start3A_516 = tpu.memref_slice %arg9[%dma_start3A_510, %dma_start3A_515] : memref<3x80xi32, #tpu.memory_space<vmem>> -> memref<1x80xi32, #tpu.memory_space<vmem>>
    %dma_start3A_517 = tpu.memref_squeeze %dma_start3A_516 : memref<1x80xi32, #tpu.memory_space<vmem>> -> memref<80xi32, #tpu.memory_space<vmem>>
    %dma_start3A_518 = arith.constant 0 : i32
    %dma_start3A_519 = arith.constant 0 : i32
    %dma_start3A_520 = tpu.memref_slice %arg7[%dma_start3A_518, %dma_start3A_519] : memref<10000x128xf32, #tpu.memory_space<vmem_shared>> -> memref<10000x128xf32, #tpu.memory_space<vmem_shared>>
    tpu.enqueue_indirect_dma source(%dma_start3A_514 : memref<80x128xf32, #tpu.memory_space<vmem>>) target(%dma_start3A_520 : memref<10000x128xf32, #tpu.memory_space<vmem_shared>>) offsets(%dma_start3A_517 : memref<80xi32, #tpu.memory_space<vmem>>) semaphore(%arg14 : memref<!tpu.dma_semaphore, #tpu.memory_space<semaphore_mem>>) {add = true}
    %dma_wait3A_521 = arith.constant 0 : i32
    %dma_wait3A_522 = arith.constant 1 : i32
    %dma_wait3A_523 = arith.constant 0 : i32
    %dma_wait3A_524 = arith.constant 0 : i32
    %dma_wait3A_525 = tpu.memref_slice %arg8[%dma_wait3A_522, %dma_wait3A_523, %dma_wait3A_524] : memref<3x80x128xf32, #tpu.memory_space<vmem>> -> memref<1x80x128xf32, #tpu.memory_space<vmem>>
    %dma_wait3A_526 = tpu.memref_squeeze %dma_wait3A_525 : memref<1x80x128xf32, #tpu.memory_space<vmem>> -> memref<80x128xf32, #tpu.memory_space<vmem>>
    %dma_wait3A_527 = arith.constant 0 : i32
    %dma_wait3A_528 = arith.constant 0 : i32
    %dma_wait3A_529 = tpu.memref_slice %arg2[%add3A, %dma_wait3A_521, %dma_wait3A_527, %dma_wait3A_528] : memref<32x125x80x128xf32, #tpu.memory_space<hbm>> -> memref<1x1x80x128xf32, #tpu.memory_space<hbm>>
    %dma_wait3A_530 = tpu.memref_squeeze %dma_wait3A_529 : memref<1x1x80x128xf32, #tpu.memory_space<hbm>> -> memref<80x128xf32, #tpu.memory_space<hbm>>
    %dma_wait3A_531 = arith.constant 0 : i32
    %dma_wait3A_532 = arith.constant 0 : i32
    %dma_wait3A_533 = tpu.memref_slice %arg8[%dma_wait3A_522, %dma_wait3A_531, %dma_wait3A_532] : memref<3x80x128xf32, #tpu.memory_space<vmem>> -> memref<1x80x128xf32, #tpu.memory_space<vmem>>
    %dma_wait3A_534 = tpu.memref_squeeze %dma_wait3A_533 : memref<1x80x128xf32, #tpu.memory_space<vmem>> -> memref<80x128xf32, #tpu.memory_space<vmem>>
    %dma_wait3A_535 = arith.constant 0 : i32
    %dma_wait3A_536 = arith.constant 0 : i32
    %dma_wait3A_537 = tpu.memref_slice %arg2[%add3A, %dma_wait3A_521, %dma_wait3A_535, %dma_wait3A_536] : memref<32x125x80x128xf32, #tpu.memory_space<hbm>> -> memref<1x1x80x128xf32, #tpu.memory_space<hbm>>
    %dma_wait3A_538 = tpu.memref_squeeze %dma_wait3A_537 : memref<1x1x80x128xf32, #tpu.memory_space<hbm>> -> memref<80x128xf32, #tpu.memory_space<hbm>>
    tpu.wait_dma2 semaphore(%arg12 : memref<!tpu.dma_semaphore, #tpu.memory_space<semaphore_mem>>) src(%dma_wait3A_538 : memref<80x128xf32, #tpu.memory_space<hbm>>) dst(%dma_wait3A_534 : memref<80x128xf32, #tpu.memory_space<vmem>>)
    %dma_wait3A_539 = arith.constant 0 : i32
    %dma_wait3A_540 = arith.constant 1 : i32
    %dma_wait3A_541 = arith.constant 0 : i32
    %dma_wait3A_542 = tpu.memref_slice %arg9[%dma_wait3A_540, %dma_wait3A_541] : memref<3x80xi32, #tpu.memory_space<vmem>> -> memref<1x80xi32, #tpu.memory_space<vmem>>
    %dma_wait3A_543 = tpu.memref_squeeze %dma_wait3A_542 : memref<1x80xi32, #tpu.memory_space<vmem>> -> memref<80xi32, #tpu.memory_space<vmem>>
    %dma_wait3A_544 = arith.constant 0 : i32
    %dma_wait3A_545 = tpu.memref_slice %arg3[%add3A, %dma_wait3A_539, %dma_wait3A_544] : memref<32x125x80xi32, #tpu.memory_space<hbm>> -> memref<1x1x80xi32, #tpu.memory_space<hbm>>
    %dma_wait3A_546 = tpu.memref_squeeze %dma_wait3A_545 : memref<1x1x80xi32, #tpu.memory_space<hbm>> -> memref<80xi32, #tpu.memory_space<hbm>>
    %dma_wait3A_547 = arith.constant 0 : i32
    %dma_wait3A_548 = tpu.memref_slice %arg9[%dma_wait3A_540, %dma_wait3A_547] : memref<3x80xi32, #tpu.memory_space<vmem>> -> memref<1x80xi32, #tpu.memory_space<vmem>>
    %dma_wait3A_549 = tpu.memref_squeeze %dma_wait3A_548 : memref<1x80xi32, #tpu.memory_space<vmem>> -> memref<80xi32, #tpu.memory_space<vmem>>
    %dma_wait3A_550 = arith.constant 0 : i32
    %dma_wait3A_551 = tpu.memref_slice %arg3[%add3A, %dma_wait3A_539, %dma_wait3A_550] : memref<32x125x80xi32, #tpu.memory_space<hbm>> -> memref<1x1x80xi32, #tpu.memory_space<hbm>>
    %dma_wait3A_552 = tpu.memref_squeeze %dma_wait3A_551 : memref<1x1x80xi32, #tpu.memory_space<hbm>> -> memref<80xi32, #tpu.memory_space<hbm>>
    tpu.wait_dma2 semaphore(%arg12 : memref<!tpu.dma_semaphore, #tpu.memory_space<semaphore_mem>>) src(%dma_wait3A_552 : memref<80xi32, #tpu.memory_space<hbm>>) dst(%dma_wait3A_549 : memref<80xi32, #tpu.memory_space<vmem>>)
    %get3A_553 = arith.constant 1 : i32
    %get3A_554 = arith.index_cast %get3A_553 : i32 to index
    %get3A_555 = arith.constant 0 : index
    %get3A_556 = tpu.vector_load %arg9[%get3A_554, %get3A_555] {strides = array<i32>} : memref<3x80xi32, #tpu.memory_space<vmem>>, vector<16xi32>,
    tpu.vector_store_idx %arg10[%get3A_556], %broadcast_in_dim3A_76 {add = true} : memref<10000xf32, #tpu.memory_space<vmem>>[vector<16xi32>], vector<16xf32>,
    %get3A_557 = arith.constant 1 : i32
    %get3A_558 = arith.index_cast %get3A_557 : i32 to index
    %get3A_559 = arith.constant 16 : index
    %get3A_560 = tpu.vector_load %arg9[%get3A_558, %get3A_559] {strides = array<i32>} : memref<3x80xi32, #tpu.memory_space<vmem>>, vector<16xi32>,
    tpu.vector_store_idx %arg10[%get3A_560], %broadcast_in_dim3A_76 {add = true} : memref<10000xf32, #tpu.memory_space<vmem>>[vector<16xi32>], vector<16xf32>,
    %get3A_561 = arith.constant 1 : i32
    %get3A_562 = arith.index_cast %get3A_561 : i32 to index
    %get3A_563 = arith.constant 32 : index
    %get3A_564 = tpu.vector_load %arg9[%get3A_562, %get3A_563] {strides = array<i32>} : memref<3x80xi32, #tpu.memory_space<vmem>>, vector<16xi32>,
    tpu.vector_store_idx %arg10[%get3A_564], %broadcast_in_dim3A_76 {add = true} : memref<10000xf32, #tpu.memory_space<vmem>>[vector<16xi32>], vector<16xf32>,
    %get3A_565 = arith.constant 1 : i32
    %get3A_566 = arith.index_cast %get3A_565 : i32 to index
    %get3A_567 = arith.constant 48 : index
    %get3A_568 = tpu.vector_load %arg9[%get3A_566, %get3A_567] {strides = array<i32>} : memref<3x80xi32, #tpu.memory_space<vmem>>, vector<16xi32>,
    tpu.vector_store_idx %arg10[%get3A_568], %broadcast_in_dim3A_76 {add = true} : memref<10000xf32, #tpu.memory_space<vmem>>[vector<16xi32>], vector<16xf32>,
    %get3A_569 = arith.constant 1 : i32
    %get3A_570 = arith.index_cast %get3A_569 : i32 to index
    %get3A_571 = arith.constant 64 : index
    %get3A_572 = tpu.vector_load %arg9[%get3A_570, %get3A_571] {strides = array<i32>} : memref<3x80xi32, #tpu.memory_space<vmem>>, vector<16xi32>,
    tpu.vector_store_idx %arg10[%get3A_572], %broadcast_in_dim3A_76 {add = true} : memref<10000xf32, #tpu.memory_space<vmem>>[vector<16xi32>], vector<16xf32>,
    %dma_start3A_573 = arith.constant 1 : i32
    %dma_start3A_574 = arith.constant 1 : i32
    %dma_start3A_575 = arith.constant 0 : i32
    %dma_start3A_576 = arith.constant 0 : i32
    %dma_start3A_577 = tpu.memref_slice %arg8[%dma_start3A_573, %dma_start3A_575, %dma_start3A_576] : memref<3x80x128xf32, #tpu.memory_space<vmem>> -> memref<1x80x128xf32, #tpu.memory_space<vmem>>
    %dma_start3A_578 = tpu.memref_squeeze %dma_start3A_577 : memref<1x80x128xf32, #tpu.memory_space<vmem>> -> memref<80x128xf32, #tpu.memory_space<vmem>>
    %dma_start3A_579 = arith.constant 0 : i32
    %dma_start3A_580 = tpu.memref_slice %arg9[%dma_start3A_574, %dma_start3A_579] : memref<3x80xi32, #tpu.memory_space<vmem>> -> memref<1x80xi32, #tpu.memory_space<vmem>>
    %dma_start3A_581 = tpu.memref_squeeze %dma_start3A_580 : memref<1x80xi32, #tpu.memory_space<vmem>> -> memref<80xi32, #tpu.memory_space<vmem>>
    %dma_start3A_582 = arith.constant 0 : i32
    %dma_start3A_583 = arith.constant 0 : i32
    %dma_start3A_584 = tpu.memref_slice %arg7[%dma_start3A_582, %dma_start3A_583] : memref<10000x128xf32, #tpu.memory_space<vmem_shared>> -> memref<10000x128xf32, #tpu.memory_space<vmem_shared>>
    tpu.enqueue_indirect_dma source(%dma_start3A_578 : memref<80x128xf32, #tpu.memory_space<vmem>>) target(%dma_start3A_584 : memref<10000x128xf32, #tpu.memory_space<vmem_shared>>) offsets(%dma_start3A_581 : memref<80xi32, #tpu.memory_space<vmem>>) semaphore(%arg15 : memref<!tpu.dma_semaphore, #tpu.memory_space<semaphore_mem>>) {add = true}
    %dma_wait3A_585 = arith.constant 0 : i32
    %dma_wait3A_586 = arith.constant 0 : i32
    %dma_wait3A_587 = arith.constant 0 : i32
    %dma_wait3A_588 = arith.constant 0 : i32
    %dma_wait3A_589 = tpu.memref_slice %arg8[%dma_wait3A_585, %dma_wait3A_587, %dma_wait3A_588] : memref<3x80x128xf32, #tpu.memory_space<vmem>> -> memref<1x80x128xf32, #tpu.memory_space<vmem>>
    %dma_wait3A_590 = tpu.memref_squeeze %dma_wait3A_589 : memref<1x80x128xf32, #tpu.memory_space<vmem>> -> memref<80x128xf32, #tpu.memory_space<vmem>>
    %dma_wait3A_591 = arith.constant 0 : i32
    %dma_wait3A_592 = tpu.memref_slice %arg9[%dma_wait3A_586, %dma_wait3A_591] : memref<3x80xi32, #tpu.memory_space<vmem>> -> memref<1x80xi32, #tpu.memory_space<vmem>>
    %dma_wait3A_593 = tpu.memref_squeeze %dma_wait3A_592 : memref<1x80xi32, #tpu.memory_space<vmem>> -> memref<80xi32, #tpu.memory_space<vmem>>
    %dma_wait3A_594 = arith.constant 0 : i32
    %dma_wait3A_595 = arith.constant 0 : i32
    %dma_wait3A_596 = tpu.memref_slice %arg7[%dma_wait3A_594, %dma_wait3A_595] : memref<10000x128xf32, #tpu.memory_space<vmem_shared>> -> memref<10000x128xf32, #tpu.memory_space<vmem_shared>>
    tpu.wait_indirect_dma semaphore(%arg14 : memref<!tpu.dma_semaphore, #tpu.memory_space<semaphore_mem>>) src(%dma_wait3A_590 : memref<80x128xf32, #tpu.memory_space<vmem>>) dst(%dma_wait3A_596 : memref<10000x128xf32, #tpu.memory_space<vmem_shared>>)
    %dma_wait3A_597 = arith.constant 1 : i32
    %dma_wait3A_598 = arith.constant 1 : i32
    %dma_wait3A_599 = arith.constant 0 : i32
    %dma_wait3A_600 = arith.constant 0 : i32
    %dma_wait3A_601 = tpu.memref_slice %arg8[%dma_wait3A_597, %dma_wait3A_599, %dma_wait3A_600] : memref<3x80x128xf32, #tpu.memory_space<vmem>> -> memref<1x80x128xf32, #tpu.memory_space<vmem>>
    %dma_wait3A_602 = tpu.memref_squeeze %dma_wait3A_601 : memref<1x80x128xf32, #tpu.memory_space<vmem>> -> memref<80x128xf32, #tpu.memory_space<vmem>>
    %dma_wait3A_603 = arith.constant 0 : i32
    %dma_wait3A_604 = tpu.memref_slice %arg9[%dma_wait3A_598, %dma_wait3A_603] : memref<3x80xi32, #tpu.memory_space<vmem>> -> memref<1x80xi32, #tpu.memory_space<vmem>>
    %dma_wait3A_605 = tpu.memref_squeeze %dma_wait3A_604 : memref<1x80xi32, #tpu.memory_space<vmem>> -> memref<80xi32, #tpu.memory_space<vmem>>
    %dma_wait3A_606 = arith.constant 0 : i32
    %dma_wait3A_607 = arith.constant 0 : i32
    %dma_wait3A_608 = tpu.memref_slice %arg7[%dma_wait3A_606, %dma_wait3A_607] : memref<10000x128xf32, #tpu.memory_space<vmem_shared>> -> memref<10000x128xf32, #tpu.memory_space<vmem_shared>>
    tpu.wait_indirect_dma semaphore(%arg15 : memref<!tpu.dma_semaphore, #tpu.memory_space<semaphore_mem>>) src(%dma_wait3A_602 : memref<80x128xf32, #tpu.memory_space<vmem>>) dst(%dma_wait3A_608 : memref<10000x128xf32, #tpu.memory_space<vmem_shared>>)
    %dma_wait3A_609 = arith.constant 2 : i32
    %dma_wait3A_610 = arith.constant 2 : i32
    %dma_wait3A_611 = arith.constant 0 : i32
    %dma_wait3A_612 = arith.constant 0 : i32
    %dma_wait3A_613 = tpu.memref_slice %arg8[%dma_wait3A_609, %dma_wait3A_611, %dma_wait3A_612] : memref<3x80x128xf32, #tpu.memory_space<vmem>> -> memref<1x80x128xf32, #tpu.memory_space<vmem>>
    %dma_wait3A_614 = tpu.memref_squeeze %dma_wait3A_613 : memref<1x80x128xf32, #tpu.memory_space<vmem>> -> memref<80x128xf32, #tpu.memory_space<vmem>>
    %dma_wait3A_615 = arith.constant 0 : i32
    %dma_wait3A_616 = tpu.memref_slice %arg9[%dma_wait3A_610, %dma_wait3A_615] : memref<3x80xi32, #tpu.memory_space<vmem>> -> memref<1x80xi32, #tpu.memory_space<vmem>>
    %dma_wait3A_617 = tpu.memref_squeeze %dma_wait3A_616 : memref<1x80xi32, #tpu.memory_space<vmem>> -> memref<80xi32, #tpu.memory_space<vmem>>
    %dma_wait3A_618 = arith.constant 0 : i32
    %dma_wait3A_619 = arith.constant 0 : i32
    %dma_wait3A_620 = tpu.memref_slice %arg7[%dma_wait3A_618, %dma_wait3A_619] : memref<10000x128xf32, #tpu.memory_space<vmem_shared>> -> memref<10000x128xf32, #tpu.memory_space<vmem_shared>>
    tpu.wait_indirect_dma semaphore(%arg16 : memref<!tpu.dma_semaphore, #tpu.memory_space<semaphore_mem>>) src(%dma_wait3A_614 : memref<80x128xf32, #tpu.memory_space<vmem>>) dst(%dma_wait3A_620 : memref<10000x128xf32, #tpu.memory_space<vmem_shared>>)
    "tpu.region"() ({
      %run_scoped3A_626 = tpu.sem_alloc : memref<!tpu.dma_semaphore, #tpu.memory_space<semaphore_mem>>
      %dma_start3A_627 = arith.constant 0 : i32
      %dma_start3A_628 = tpu.memref_slice %arg6[%add3A, %dma_start3A_627] : memref<32x10000xf32, #tpu.memory_space<hbm>> -> memref<1x10000xf32, #tpu.memory_space<hbm>>
      %dma_start3A_629 = tpu.memref_squeeze %dma_start3A_628 : memref<1x10000xf32, #tpu.memory_space<hbm>> -> memref<10000xf32, #tpu.memory_space<hbm>>
      %dma_start3A_630 = arith.constant 0 : i32
      %dma_start3A_631 = tpu.memref_slice %arg6[%add3A, %dma_start3A_630] : memref<32x10000xf32, #tpu.memory_space<hbm>> -> memref<1x10000xf32, #tpu.memory_space<hbm>>
      %dma_start3A_632 = tpu.memref_squeeze %dma_start3A_631 : memref<1x10000xf32, #tpu.memory_space<hbm>> -> memref<10000xf32, #tpu.memory_space<hbm>>
      tpu.enqueue_dma source(%arg10 : memref<10000xf32, #tpu.memory_space<vmem>>) target(%dma_start3A_632 : memref<10000xf32, #tpu.memory_space<hbm>>) target_semaphore(%run_scoped3A_626 : memref<!tpu.dma_semaphore, #tpu.memory_space<semaphore_mem>>)
      %dma_wait3A_633 = arith.constant 0 : i32
      %dma_wait3A_634 = tpu.memref_slice %arg6[%add3A, %dma_wait3A_633] : memref<32x10000xf32, #tpu.memory_space<hbm>> -> memref<1x10000xf32, #tpu.memory_space<hbm>>
      %dma_wait3A_635 = tpu.memref_squeeze %dma_wait3A_634 : memref<1x10000xf32, #tpu.memory_space<hbm>> -> memref<10000xf32, #tpu.memory_space<hbm>>
      %dma_wait3A_636 = arith.constant 0 : i32
      %dma_wait3A_637 = tpu.memref_slice %arg6[%add3A, %dma_wait3A_636] : memref<32x10000xf32, #tpu.memory_space<hbm>> -> memref<1x10000xf32, #tpu.memory_space<hbm>>
      %dma_wait3A_638 = tpu.memref_squeeze %dma_wait3A_637 : memref<1x10000xf32, #tpu.memory_space<hbm>> -> memref<10000xf32, #tpu.memory_space<hbm>>
      tpu.wait_dma2 semaphore(%run_scoped3A_626 : memref<!tpu.dma_semaphore, #tpu.memory_space<semaphore_mem>>) src(%arg10 : memref<10000xf32, #tpu.memory_space<vmem>>) dst(%dma_wait3A_638 : memref<10000xf32, #tpu.memory_space<hbm>>)
      tpu.yield
    }) : () -> ()
    %barrier3A_621 = arith.constant 0 : index
    tpu.barrier barrier_id(%barrier3A_621)
    %mul3A_622 = arith.constant 625 : i32
    %mul3A_623 = arith.muli %arg1, %mul3A_622 : i32
    %mul3A_624 = arith.constant 625 : i32
    %mul3A_625 = arith.muli %arg1, %mul3A_624 : i32
    "tpu.region"() ({
      %run_scoped3A_626 = tpu.sem_alloc : memref<!tpu.dma_semaphore, #tpu.memory_space<semaphore_mem>>
      %dma_start3A_627 = arith.constant 0 : i32
      %dma_start3A_628 = tpu.memref_slice %arg5[%arg0, %mul3A_625, %dma_start3A_627] : memref<2x10000x128xf32, #tpu.memory_space<hbm>> -> memref<1x625x128xf32, #tpu.memory_space<hbm>>
      %dma_start3A_629 = tpu.memref_squeeze %dma_start3A_628 : memref<1x625x128xf32, #tpu.memory_space<hbm>> -> memref<625x128xf32, #tpu.memory_space<hbm>>
      %dma_start3A_630 = arith.constant 0 : i32
      %dma_start3A_631 = tpu.memref_slice %arg7[%mul3A_623, %dma_start3A_630] : memref<10000x128xf32, #tpu.memory_space<vmem_shared>> -> memref<625x128xf32, #tpu.memory_space<vmem_shared>>
      tpu.enqueue_dma source(%dma_start3A_631 : memref<625x128xf32, #tpu.memory_space<vmem_shared>>) target(%dma_start3A_629 : memref<625x128xf32, #tpu.memory_space<hbm>>) target_semaphore(%run_scoped3A_626 : memref<!tpu.dma_semaphore, #tpu.memory_space<semaphore_mem>>)
      %dma_wait3A_632 = arith.constant 0 : i32
      %dma_wait3A_633 = tpu.memref_slice %arg5[%arg0, %mul3A_625, %dma_wait3A_632] : memref<2x10000x128xf32, #tpu.memory_space<hbm>> -> memref<1x625x128xf32, #tpu.memory_space<hbm>>
      %dma_wait3A_634 = tpu.memref_squeeze %dma_wait3A_633 : memref<1x625x128xf32, #tpu.memory_space<hbm>> -> memref<625x128xf32, #tpu.memory_space<hbm>>
      %dma_wait3A_635 = arith.constant 0 : i32
      %dma_wait3A_636 = tpu.memref_slice %arg7[%mul3A_623, %dma_wait3A_635] : memref<10000x128xf32, #tpu.memory_space<vmem_shared>> -> memref<625x128xf32, #tpu.memory_space<vmem_shared>>
      tpu.wait_dma2 semaphore(%run_scoped3A_626 : memref<!tpu.dma_semaphore, #tpu.memory_space<semaphore_mem>>) src(%dma_wait3A_636 : memref<625x128xf32, #tpu.memory_space<vmem_shared>>) dst(%dma_wait3A_634 : memref<625x128xf32, #tpu.memory_space<hbm>>)
      tpu.yield
    }) : () -> ()
    return
  }
}

module attributes {stable_mosaic.version = 14 : i64} {
  func.func @body(%arg0: i32, %arg1: memref<2x1000x128xf32, #tpu.memory_space<vmem>>, %arg2: memref<1x32x1000xf32, #tpu.memory_space<vmem>>, %arg3: memref<128x128xf32, #tpu.memory_space<vmem>>, %arg4: memref<1x128xf32, #tpu.memory_space<vmem>>, %arg5: memref<1000x128xf32, #tpu.memory_space<vmem>>) attributes {dimension_semantics = [#tpu.dimension_semantics<arbitrary>], iteration_bounds = array<i64: 10>, scalar_prefetch = 0 : i64, scratch_operands = 0 : i64, tpu.core_type = #tpu.core_type<tc>, window_params = [{transform_indices = @transform_0, window_bounds = array<i64: 2, 1000, 128>}, {transform_indices = @transform_1, window_bounds = array<i64: 1, 32, 1000>}, {pipeline_mode = #tpu.pipeline_mode<synchronous>, transform_indices = @transform_2, window_bounds = array<i64: 128, 128>}, {pipeline_mode = #tpu.pipeline_mode<synchronous>, transform_indices = @transform_3, window_bounds = array<i64: 1, 128>}, {transform_indices = @transform_4, window_bounds = array<i64: 1000, 128>}]} {
    %get3A = arith.constant 0 : index
    %get3A_0 = arith.constant 0 : index
    %get3A_1 = arith.constant 0 : index
    %get3A_2 = vector.load %arg1[%get3A, %get3A_0, %get3A_1] : memref<2x1000x128xf32, #tpu.memory_space<vmem>>, vector<1x1000x128xf32>
    %get3A_3 = vector.shape_cast %get3A_2 : vector<1x1000x128xf32> to vector<1000x128xf32>
    %get3A_4 = arith.constant 1 : index
    %get3A_5 = arith.constant 0 : index
    %get3A_6 = arith.constant 0 : index
    %get3A_7 = vector.load %arg1[%get3A_4, %get3A_5, %get3A_6] : memref<2x1000x128xf32, #tpu.memory_space<vmem>>, vector<1x1000x128xf32>
    %get3A_8 = vector.shape_cast %get3A_7 : vector<1x1000x128xf32> to vector<1000x128xf32>
    %add3A = arith.addf %get3A_3, %get3A_8 : vector<1000x128xf32>
    %get3A_9 = arith.constant 0 : index
    %get3A_10 = arith.constant 0 : index
    %get3A_11 = arith.constant 0 : index
    %get3A_12 = vector.load %arg2[%get3A_9, %get3A_10, %get3A_11] : memref<1x32x1000xf32, #tpu.memory_space<vmem>>, vector<1x32x1000xf32>
    %get3A_13 = vector.shape_cast %get3A_12 : vector<1x32x1000xf32> to vector<32x1000xf32>
    %reduce_sum3A = arith.constant dense<0.000000e+00> : vector<1000xf32>
    %reduce_sum3A_14 = vector.multi_reduction <add>, %get3A_13, %reduce_sum3A [0] : vector<32x1000xf32> to vector<1000xf32>
    %jit3A = arith.constant 1.000000e+00 : f32
    %max3A = vector.broadcast %jit3A : f32 to vector<1000xf32>
    %max3A_15 = arith.maximumf %max3A, %reduce_sum3A_14 : vector<1000xf32>
    %broadcast_in_dim3A = vector.shape_cast %max3A_15 : vector<1000xf32> to vector<1000x1xf32>
    %div3A = vector.broadcast %broadcast_in_dim3A : vector<1000x1xf32> to vector<1000x128xf32>
    %div3A_16 = arith.divf %add3A, %div3A : vector<1000x128xf32>
    %get3A_17 = arith.constant 0 : index
    %get3A_18 = arith.constant 0 : index
    %get3A_19 = vector.load %arg3[%get3A_17, %get3A_18] : memref<128x128xf32, #tpu.memory_space<vmem>>, vector<128x128xf32>
    %dot_general3A = arith.constant dense<0.000000e+00> : vector<1000x128xf32>
    %dot_general3A_20 = tpu.matmul %div3A_16, %get3A_19, %dot_general3A {dimension_numbers = #tpu.dot_dimension_numbers<[1], [0], [0], [1], [0, 0, 1, 1], [], []>, transpose_lhs_hint = false} : vector<1000x128xf32>, vector<128x128xf32>, vector<1000x128xf32> -> vector<1000x128xf32>
    %get3A_21 = arith.constant 0 : index
    %get3A_22 = arith.constant 0 : index
    %get3A_23 = vector.load %arg4[%get3A_21, %get3A_22] : memref<1x128xf32, #tpu.memory_space<vmem>>, vector<1x128xf32>
    %add3A_24 = vector.broadcast %get3A_23 : vector<1x128xf32> to vector<1000x128xf32>
    %add3A_25 = arith.addf %dot_general3A_20, %add3A_24 : vector<1000x128xf32>
    %swap3A = arith.constant 0 : index
    %swap3A_26 = arith.constant 0 : index
    %swap3A_27 = vector.load %arg5[%swap3A, %swap3A_26] : memref<1000x128xf32, #tpu.memory_space<vmem>>, vector<1000x128xf32>
    tpu.vector_store %arg5[%swap3A, %swap3A_26], %add3A_25 {strides = array<i32>} : memref<1000x128xf32, #tpu.memory_space<vmem>>, vector<1000x128xf32>,
    return
  }
  func.func @transform_0(%arg0: i32) -> (i32, i32, i32) {
    %c0_i32 = arith.constant 0 : i32
    %c0_i32_0 = arith.constant 0 : i32
    %c0_i32_1 = arith.constant 0 : i32
    return %c0_i32, %arg0, %c0_i32_0 : i32, i32, i32
  }
  func.func @transform_1(%arg0: i32) -> (i32, i32, i32) {
    %c0_i32 = arith.constant 0 : i32
    %c0_i32_0 = arith.constant 0 : i32
    %c0_i32_1 = arith.constant 0 : i32
    return %arg0, %c0_i32, %c0_i32_0 : i32, i32, i32
  }
  func.func @transform_2(%arg0: i32) -> (i32, i32) {
    %c0_i32 = arith.constant 0 : i32
    %c0_i32_0 = arith.constant 0 : i32
    %c0_i32_1 = arith.constant 0 : i32
    return %c0_i32, %c0_i32_0 : i32, i32
  }
  func.func @transform_3(%arg0: i32) -> (i32, i32) {
    %c0_i32 = arith.constant 0 : i32
    %c0_i32_0 = arith.constant 0 : i32
    %c0_i32_1 = arith.constant 0 : i32
    return %c0_i32, %c0_i32_0 : i32, i32
  }
  func.func @transform_4(%arg0: i32) -> (i32, i32) {
    %c0_i32 = arith.constant 0 : i32
    %c0_i32_0 = arith.constant 0 : i32
    return %arg0, %c0_i32 : i32, i32
  }
}

</mosaic_0001>

<sc_bundles>
// kernel: kernel.4.cloned.1.call-start
scs
__scs_entry_jumppad:
0x0: {  	(pc) =	sbr.rel $0x88, $3  }
0x1: {  	(tag) =	ssettag $0x0;
	lr =	simm.s32 $0x1  }
0x2: {  	[smem:$0x3F9D] =	sst lr;
	_ =	strace $0xD0000000  }
0x3: {  	_ = 	snop  }
0x4: {  	_ = 	snop  }
0x5: {  	_ = 	snop  }
0x6: {  	_ = 	snop  }
0x7: {  	_ = 	snop  }
__scs_overlays_trampoline_lowered:
0x8: {  	[smem:$0x3FAC] =	sst s0  }
0x9: {  	[smem:$0x3FAD] =	sst s1  }
0xa: {  	[smem:$0x3FAE] =	sst s2  }
0xb: {  	[smem:$0x3FAF] =	sst s3  }
0xc: {  	[smem:$0x3FB0] =	sst s4  }
0xd: {  	[smem:$0x3FB1] =	sst s5  }
0xe: {  	[smem:$0x3FB2] =	sst s6  }
0xf: {  	[smem:$0x3FB3] =	sst s7  }
0x10: {  	[smem:$0x3FB4] =	sst s8  }
0x11: {  	[smem:$0x3FB5] =	sst s9;
	s0 =	simm.s32 @!p0 $0x0  }
0x12: {  	s1 =	sld [smem:$0x3F9B];
	s0 =	simm.s32 @p0 $0x1  }
0x13: {  	[smem:$0x3FB6] =	sst s0;
	s0 =	simm.s32 @!p1 $0x0  }
0x14: {  	s2 =	sld [smem:$0x3F9A];
	s0 =	simm.s32 @p1 $0x1  }
0x15: {  	[smem:$0x3FB7] =	sst s0;
	s0 =	simm.s32 @!p2 $0x0  }
0x16: {  	s3 =	sld [smem:$0x3FDB];
	s0 =	simm.s32 @p2 $0x1  }
0x17: {  	s4 =	simm.s32 $0x1BF5;
	[smem:$0x3FB9] =	sst s0  }
0x18: {  	s0 =	sld [smem:$0x3F9C];
	_ =	swait.ge [sflag:s4], $0x0  }
0x19: {  	s7 =	sld [smem:$0x3F9D]  }
0x1a: {  	s8 =	sadd.s32 $0xFFFFE003, lr  }
0x1b: {  	s9 =	sadd.s32 $0xFFFFFEF7, lr;
	s5 =	simm.s32 $0xFFFFFFFF;
	p2 =	slt.u32 s8, $0xFFFFF086  }
0x1c: {  	p1 =	slt.u32 s9, $0xF7A;
	s5 =	simm.s32 @!p2 $0x0  }
0x1d: {  	s5 =	simm.s32 @p1 $0x1;
	p0 =	seq.s32 s7, s2  }
0x1e: {  	s7 =	smul.u32 @!p0 $0xF7A, s2;
	p2 =	seq.s32 @!p0 s5, $0x0  }
0x1f: {  	s9 =	smul.u32 $0xF7A, s1;
	s8 =	simm.s32 @!p0 $0x1BF5;
	p2 =	por !p2, p0  }
0x20: {  	[sflag:s8] =	ssyncset.s32 @!p0 $0xFFFFF086;
	s6 =	sadd.s32 @!p0 s3, s7;
	s7 =	simm.s32 @!p0 $0x108  }
0x21: {  	s3 =	sadd.s32 s3, s9;
	s6 =	sadd.s32 @!p0 $0x88, s6;
	s7 =	simm.s32 @p2 $0x1082  }
0x22: {  	[simem:s7], [sflag:s8] =	dma.local @!p0 [hbm:s6], $0xF7A  }
0x23: {  	s9 =	sor.u32 $0xD0000000, s2;
	s6 =	simm.s32 $0x108;
	_ =	swait.ge @!p0 [sflag:s8], $0x0  }
0x24: {  	s3 =	sadd.s32 $0x88, s3;
	s6 =	simm.s32 @!p1 $0x1082;
	[sflag:s4] =	ssyncset.s32 $0xFFFFF086  }
0x25: {  	[simem:s6], [sflag:s4] =	dma.local [hbm:s3], $0xF7A  }
0x26: {  	[smem:$0x3F9D] =	sst s1;
	(tag) =	ssettag s2;
	_ =	strace s9  }
0x27: {  	s1 =	sld [smem:$0x3FAD]  }
0x28: {  	s2 =	sld [smem:$0x3FAE]  }
0x29: {  	s4 =	sld [smem:$0x3FB0]  }
0x2a: {  	p0 =	seq.s32 s5, $0x0;
	s5 =	sld [smem:$0x3FB1]  }
0x2b: {  	s6 =	sld [smem:$0x3FB2]  }
0x2c: {  	s7 =	sld [smem:$0x3FB3]  }
0x2d: {  	s3 =	simm.s32 $0x108;
	s8 =	sld [smem:$0x3FB4]  }
0x2e: {  	s3 =	simm.s32 @!p0 $0x1082;
	s9 =	sld [smem:$0x3FB5]  }
0x2f: {  	lr =	sadd.s32 s0, s3;
	s0 =	sld [smem:$0x3FAC]  }
0x30: {  	s3 =	sld [smem:$0x3FAF]  }
0x31: {  	[smem:$0x3FB8] =	sst s10  }
0x32: {  	s10 =	sld [smem:$0x3FB6];
	_ =	sdelay $0x3  }
0x33: {  	p0 =	seq.s32 s10, $0x1;
	s10 =	sld [smem:$0x3FB8];
	_ =	sdelay $0x3  }
0x34: {  	[smem:$0x3FB8] =	sst s10  }
0x35: {  	s10 =	sld [smem:$0x3FB7];
	_ =	sdelay $0x3  }
0x36: {  	p1 =	seq.s32 s10, $0x1;
	s10 =	sld [smem:$0x3FB8];
	_ =	sdelay $0x3  }
0x37: {  	[smem:$0x3FB8] =	sst s10  }
0x38: {  	s10 =	sld [smem:$0x3FB9]  }
0x39: {  	_ = 	snop;
	(pc) =	sbr.ind lr, $3  }
0x3a: {  	_ = 	snop  }
0x3b: {  	_ = 	snop  }
0x3c: {  	p2 =	seq.s32 s10, $0x1;
	s10 =	sld [smem:$0x3FB8]  }
0x3d: {  	_ =	shalt  }
0x3e: {  	_ =	shalt  }
0x3f: {  	_ =	shalt  }
0x40: {  	_ =	shalt  }
0x41: {  	_ =	shalt  }
0x42: {  	_ =	shalt  }
0x43: {  	_ =	shalt  }
0x44: {  	_ =	shalt  }
0x45: {  	_ =	shalt  }
0x46: {  	_ =	shalt  }
0x47: {  	_ =	shalt  }
0x48: {  	_ =	shalt  }
0x49: {  	_ =	shalt  }
0x4a: {  	_ =	shalt  }
0x4b: {  	_ =	shalt  }
0x4c: {  	_ =	shalt  }
0x4d: {  	_ =	shalt  }
0x4e: {  	_ =	shalt  }
0x4f: {  	_ =	shalt  }
0x50: {  	_ =	shalt  }
0x51: {  	_ =	shalt  }
0x52: {  	_ =	shalt  }
0x53: {  	_ =	shalt  }
0x54: {  	_ =	shalt  }
0x55: {  	_ =	shalt  }
0x56: {  	_ =	shalt  }
0x57: {  	_ =	shalt  }
0x58: {  	_ =	shalt  }
0x59: {  	_ =	shalt  }
0x5a: {  	_ =	shalt  }
0x5b: {  	_ =	shalt  }
0x5c: {  	_ =	shalt  }
0x5d: {  	_ =	shalt  }
0x5e: {  	_ =	shalt  }
0x5f: {  	_ =	shalt  }
0x60: {  	_ =	shalt  }
0x61: {  	_ =	shalt  }
0x62: {  	_ =	shalt  }
0x63: {  	_ =	shalt  }
0x64: {  	_ =	shalt  }
0x65: {  	_ =	shalt  }
0x66: {  	_ =	shalt  }
0x67: {  	_ =	shalt  }
0x68: {  	_ =	shalt  }
0x69: {  	_ =	shalt  }
0x6a: {  	_ =	shalt  }
0x6b: {  	_ =	shalt  }
0x6c: {  	_ =	shalt  }
0x6d: {  	_ =	shalt  }
0x6e: {  	_ =	shalt  }
0x6f: {  	_ =	shalt  }
0x70: {  	_ =	shalt  }
0x71: {  	_ =	shalt  }
0x72: {  	_ =	shalt  }
0x73: {  	_ =	shalt  }
0x74: {  	_ =	shalt  }
0x75: {  	_ =	shalt  }
0x76: {  	_ =	shalt  }
0x77: {  	_ =	shalt  }
0x78: {  	_ =	shalt  }
0x79: {  	_ =	shalt  }
0x7a: {  	_ =	shalt  }
0x7b: {  	_ =	shalt  }
0x7c: {  	_ =	shalt  }
0x7d: {  	_ =	shalt  }
0x7e: {  	_ =	shalt  }
0x7f: {  	_ =	shalt  }
0x80: {  	_ =	shalt  }
0x81: {  	_ =	shalt  }
0x82: {  	_ =	shalt  }
0x83: {  	_ =	shalt  }
0x84: {  	_ =	shalt  }
0x85: {  	_ =	shalt  }
0x86: {  	_ =	shalt  }
0x87: {  	_ =	shalt  }
.Lfunc_end0:
.L_simem_size_0:
called_computation_lowered:
.L_overlay_start_0:
0x88: {  	s2 =	sld [smem:$0x3FD9]  }
0x89: {  	s3 =	sld [smem:$0x3FFE];
	_ =	sdelay $0x1  }
0x8a: {  	s1 =	srdreg.scid  }
0x8b: {  	s0 =	sand.u32 $0x1, s1  }
0x8c: {  	s17 =	sshll.u32 s0, $0xA;
	s2 =	sadd.s32 s3, s2  }
0x8d: {  	s2 =	sadd.s32 s2, s17  }
0x8e: {  	[smem:$0x3FC4] =	sst s2  }
0x8f: {  	_ = 	snop  }
0x90: {  	s2 =	sld [smem:$0x3FC9]  }
0x91: {  	s18 =	sld [smem:$0x3FC8]  }
0x92: {  	s4 =	sld [smem:$0x3FD0];
	(tm) =	ssettm $0x1  }
0x93: {  	s5 =	sld [smem:$0x3FFB];
	_ =	sdelay $0x3  }
0x94: {  	_ =	strace s5  }
0x95: {  	s5 =	sld [smem:$0x3FFC];
	_ =	sdelay $0x3  }
0x96: {  	_ =	strace s5  }
0x97: {  	s5 =	sld [smem:$0x3FFD];
	_ =	sdelay $0x3  }
0x98: {  	_ =	strace s5  }
0x99: {  	_ =	strace $0x8FFFFFFF  }
0x9a: {  	s19 =	sld [smem:$0x3FDB];
	_ =	sdelay $0x1  }
0x9b: {  	s6 =	simm.s32 $_scs_section_size  }
0x9c: {  	s7 =	simm.s32 $_size__tile_overlayer_lowered;
	s8 =	simm.s32 $_tile_overlayer_lowered  }
0x9d: {  	s22 =	simm.s32 $0x1BFF;
	s21 =	sshll.u32 s8, $0x1;
	s5 =	sadd.s32 s6, s19  }
0x9e: {  	s9 =	simm.s32 $0x0;
	s20 =	sshll.u32 s7, $0x1;
	s7 =	sadd.s32 s21, s5  }
0x9f: {  	[timem:s9], [sflag:s22] =	dma.local [hbm:s7], s20  }
0xa0: {  	_ =	swait.ge [sflag:s22], s20  }
0xa1: {  	s6 =	ssub.s32 $0x0, s20;
	[sflag:s22] =	ssyncset.done $0x0  }
0xa2: {  	[sflag:s22] =	ssyncadd.s32 s6;
	_ =	sdelay $0x1  }
0xa3: {  	s23 =	simm.s32 $0x1B8B  }
0xa4: {  	_ =	swait.ge [sflag:s23], $0x1  }
0xa5: {  	[sflag:s23] =	ssyncset.done $0x0  }
0xa6: {  	s25 =	simm.s32 $0x1B8E;
	s24 =	sld [smem:$0x3FFE];
	[sflag:s23] =	ssyncadd.s32 $0xFFFFFFFF  }
0xa7: {  	s26 =	simm.s32 $execute0_lowered;
	[smem:$0x3FD2] =	sst s25  }
0xa8: {  	s7 =	sshll.u32 s26, $0x1;
	_ =	strace $0x80000046;
	[dreg:$0x1] =	wrdreg $0xFFFFFFFF  }
0xa9: {  	s28 =	simm.s32 $_size_execute0_lowered;
	s5 =	sadd.s32 s5, s7;
	[dreg:$0x0] =	wrdreg $0x0  }
0xaa: {  	s7 =	sshll.u32 s28, $0x1;
	[dreg:$0x2] =	wrdreg s5  }
0xab: {  	[dreg:$0x3] =	wrdreg s7  }
0xac: {  	[dreg:$0x4] =	wrdreg $0xC0  }
0xad: {  	_ =	task [dreg:s9], $0x5FFFF  }
0xae: {  	[dreg:$0x1] =	wrdreg $0xFFFFFFFF  }
0xaf: {  	[dreg:$0x0] =	wrdreg $0x60  }
0xb0: {  	[dreg:$0x2] =	wrdreg s2  }
0xb1: {  	[dreg:$0x3] =	wrdreg s18  }
0xb2: {  	[dreg:$0x4] =	wrdreg s24  }
0xb3: {  	[dreg:$0x5] =	wrdreg s4  }
0xb4: {  	[dreg:$0x6] =	wrdreg $0x0  }
0xb5: {  	[dreg:$0x7] =	wrdreg $0x9  }
0xb6: {  	_ =	task.clear_ibuf [dreg:s9], $0x8FFFF;
	_ =	strace $0x90000046  }
0xb7: {  	s29 =	simm.s32 $0x9;
	_ =	strace $0x80000048  }
0xb8: {  	_ =	swait.ge [sflag:s29], $0x1  }
0xb9: {  	[sflag:s29] =	ssyncadd.s32 $0xFFFFFFFF  }
0xba: {  	_ =	strace $0x90000048  }
0xbb: {  	_ =	sfence  }
0xbc: {  	s30 =	sld [smem:$0x0];
	_ =	sdelay $0x2  }
0xbd: {  	s31 =	sshll.u32 s1, $0xD;
	s1 =	sshrl.u32 s1, $0x2  }
0xbe: {  	s3 =	sand.u32 $0x4000, s31;
	s1 =	sadd.s32 s1, s30  }
0xbf: {  	s0 =	sor.u32 s3, s0;
	s1 =	sshll.u32 s1, $0x11  }
0xc0: {  	s0 =	sor.u32 s1, s0  }
0xc1: {  	s0 =	sadd.s32 $0x8F2B, s0  }
0xc2: {  	[sflag:s0] =	ssyncadd.remote.s32 $0x1  }
0xc3: {  	_ =	sfence.sel $0xFFFF  }
0xc4: {  	[dreg:$0x0] =	wrdreg $0xFFFFFFFF;
	(pc) =	sbr.abs _section_cstart, $3  }
0xc5: {  	[dreg:$0x1] =	wrdreg $0xFFFFFFFF  }
0xc6: {  	_ =	task.clear_ibuf [dreg:s9], $0x2FFFF;
	_ =	strace $0x9FFFFFFF  }
0xc7: {  	(tm) =	ssettm $0x7FFFFFFF  }
tec
execute0_lowered:
.L_overlay_start_1:
0x0: {  	(tag) =	ssettag $0x1  }
0x1: {  	s0 =	rddreg [dreg:$0x0]  }
0x2: {  	s1 =	rddreg [dreg:$0x1]  }
0x3: {  	s2 =	rddreg [dreg:$0x2]  }
0x4: {  	s3 =	rddreg [dreg:$0x3]  }
0x5: {  	s5 =	srdreg.scid;
	s16 =	stileid.u32  }
0x6: {  	s4 =	rddreg [dreg:$0x4];
	s6 =	sand.u32 $0x1, s5;
	s8 =	smul.u32 $0x13880, s16  }
0x7: {  	s5 =	simm.s32 $0x0;
	s11 =	smul.u32 $0x50000, s16;
	s12 =	sadd.s32 $0xE00, s2  }
0x8: {  	s17 =	sshll.u32 s16, $0x1;
	s18 =	smul.u32 $0x4E20, s16;
	s19 =	sshll.u32 s16, $0x3  }
0x9: {  	s25 =	sshllo.u32 s16, $0x3;
	s29 =	smul.u32 $0x271000, s16;
	p2 =	seq.s32 s16, $0xF  }
0xa: {  	s16 =	simm.s32 $0x1B170;
	s7 =	smul.u32 $0x138800, s6;
	[smem:$0x7FF] =	sst s5  }
0xb: {  	s10 =	ssub.s32 $0x2, s6;
	p1 =	sgt.u32 s25, $0x7C;
	_ =	strace $0x80000047  }
0xc: {  	[dreg:$0x8] =	wrdreg s12;
	s15 =	sshrl.u32 s10, $0x1;
	s11 =	sshrl.u32 s11, $0x2  }
0xd: {  	s12 =	sor.u32 $0x6, s19;
	s9 =	sadd.s32 s8, s7;
	s14 =	sadd.s32 s11, s4  }
0xe: {  	s23 =	smul.u32 $0xA000, s12;
	s7 =	sadd.s32 s7, s29;
	p0 =	sgt.u32 s12, $0x7C  }
0xf: {  	s8 =	sadd.s32 s8, s4;
	s11 =	simm.s32 $0x1B0D0;
	s12 =	simm.s32 $0x18880  }
0x10: {  	s9 =	sshrl.u32 s9, $0x3;
	s13 =	sadd.s32 $0x2800, s14;
	[dreg:$0x9] =	wrdreg s14  }
0x11: {  	s20 =	sadd.s32 $0x5000, s14;
	s21 =	sadd.s32 $0x7800, s14;
	[dreg:$0xa] =	wrdreg s13  }
0x12: {  	s22 =	sadd.s32 $0xA000, s14;
	s24 =	sadd.s32 $0xC800, s14;
	[dreg:$0xb] =	wrdreg s20  }
0x13: {  	s2 =	sadd.s32 s9, s2;
	s9 =	ssub.s32 s10, s15;
	[dreg:$0xc] =	wrdreg s21  }
0x14: {  	s10 =	sor.u32 s6, s17;
	s6 =	smul.u32 $0x2710, s6;
	[dreg:$0xd] =	wrdreg s22  }
0x15: {  	[dreg:$0xe] =	wrdreg s24;
	s13 =	sshrl.u32 s23, $0x2;
	s15 =	smul.u32 $0xA000, s25  }
0x16: {  	s20 =	sadd.s32 $0xC800, s7;
	s21 =	sadd.s32 $0xA000, s7;
	s24 =	sadd.s32 $0x7800, s7  }
0x17: {  	s25 =	sshrl.u32 s8, $0x3;
	s8 =	simm.s32 $0x7;
	s7 =	simm.s32 $0x6  }
0x18: {  	s13 =	sadd.s32 s13, s4;
	s30 =	smul.u32 $0x138800, s10;
	[dreg:$0x18] =	wrdreg s24  }
0x19: {  	s10 =	smul.u32 $0x2710, s10;
	s2 =	sadd.s32 $0x1400, s2;
	[dreg:$0x19] =	wrdreg s25  }
0x1a: {  	s9 =	smax.u32 s9, $0x1;
	s25 =	simm.s32 $0x0;
	[dreg:$0xf] =	wrdreg s13  }
0x1b: {  	s6 =	sadd.s32 s6, s18;
	s15 =	sshrl.u32 s15, $0x2;
	[dreg:$0x13] =	wrdreg s2  }
0x1c: {  	s2 =	sshrl.u32 s20, $0x3;
	[dreg:$0x14] =	wrdreg s9;
	s9 =	simm.s32 $0x1B080  }
0x1d: {  	s20 =	simm.s32 $0x2;
	s26 =	sadd.s32 $0x190, s6;
	s17 =	sadd.s32 $0x140, s6  }
0x1e: {  	s15 =	sadd.s32 s15, s4;
	s13 =	sshrl.u32 s30, $0x3;
	s10 =	sshrl.u32 s10, $0x3  }
0x1f: {  	s2 =	sadd.s32 s2, s0;
	s23 =	sadd.s32 $0xF0, s6;
	[dreg:$0x10] =	wrdreg s15  }
0x20: {  	s6 =	simm.s32 $0x13880;
	s14 =	sshrl.u32 s26, $0x3;
	[dreg:$0x15] =	wrdreg s2  }
0x21: {  	s15 =	sadd.s32 s0, s13;
	s3 =	sadd.s32 s3, s10;
	[dreg:$0x17] =	wrdreg s23  }
0x22: {  	s13 =	simm.s32 $0x1B120;
	s28 =	sadd.s32 s14, s1;
	s14 =	sshrl.u32 s17, $0x3  }
0x23: {  	[dreg:$0x11] =	wrdreg s3;
	s17 =	sadd.s32 s1, s10;
	s19 =	sadd.s32 $0x500, s15  }
0x24: {  	s3 =	sshrl.u32 s21, $0x3;
	s30 =	sadd.s32 $0x26700, s15;
	[dreg:$0x6] =	wrdreg s28  }
0x25: {  	s2 =	sadd.s32 $0x26C00, s15;
	s10 =	simm.s32 $0x16080;
	[dreg:$0x12] =	wrdreg s19  }
0x26: {  	s21 =	simm.s32 $0x5;
	s18 =	sadd.s32 s14, s1;
	[dreg:$0x1d] =	wrdreg s30  }
0x27: {  	s22 =	sadd.s32 s3, s0;
	s26 =	sadd.s32 $0xA, s17;
	[dreg:$0x7] =	wrdreg s18  }
0x28: {  	s28 =	sadd.s32 $0xA00, s15;
	s29 =	sadd.s32 $0x14, s17;
	[dreg:$0x16] =	wrdreg s22  }
0x29: {  	s31 =	sadd.s32 $0x4CE, s17;
	s3 =	sadd.s32 $0x4D8, s17;
	[dreg:$0x1a] =	wrdreg s26  }
0x2a: {  	s14 =	simm.s32 $0x1;
	s19 =	simm.s32 $0x4;
	[dreg:$0x1b] =	wrdreg s28  }
0x2b: {  	v0 =	vimm.f32 $0.0e+00;
	v1 =	vimm.f32 $1.000000000e+00;
	[dreg:$0x1c] =	wrdreg s29;
	s18 =	simm.s32 $0x50;
	s22 =	simm.s32 $0x3  }
.LBB2_1:
0x2c: {  	s23 =	rddreg [dreg:$0x8]  }
0x2d: {  	[tilespmem:s6], [sflag:$0x7] =	stream.linear.gather [hbm4b:s23+s5], $0x2800, $0x38;
	[tilespmem:$0x1D880] =	vst v63  }
0x2e: {  	_ =	swait.ge [sflag:s8], $0x2800  }
0x2f: {  	[sflag:s8] =	ssyncset.done $0x0  }
0x30: {  	s24 =	rddreg [dreg:$0x9];
	[sflag:s8] =	ssyncadd.s32 $0xFFFFD800  }
0x31: {  	[spmem:s24] =	stream.linear.scatter [tilespmem:s6], [sflag:$0x7], $0x2800, $0x38;
	[tilespmem:$0x1D880] =	vst v63  }
0x32: {  	_ =	swait.ge [sflag:s8], $0x2800  }
0x33: {  	[sflag:s8] =	ssyncset.done $0x0  }
0x34: {  	s26 =	rddreg [dreg:$0xa];
	[sflag:s8] =	ssyncadd.s32 $0xFFFFD800  }
0x35: {  	[spmem:s26] =	stream.linear.scatter [tilespmem:s6], [sflag:$0x7], $0x2800, $0x38;
	[tilespmem:$0x1D880] =	vst v63  }
0x36: {  	_ =	swait.ge [sflag:s8], $0x2800  }
0x37: {  	[sflag:s8] =	ssyncset.done $0x0  }
0x38: {  	s28 =	rddreg [dreg:$0xb];
	[sflag:s8] =	ssyncadd.s32 $0xFFFFD800  }
0x39: {  	[spmem:s28] =	stream.linear.scatter [tilespmem:s6], [sflag:$0x7], $0x2800, $0x38;
	[tilespmem:$0x1D880] =	vst v63  }
0x3a: {  	_ =	swait.ge [sflag:s8], $0x2800  }
0x3b: {  	[sflag:s8] =	ssyncset.done $0x0  }
0x3c: {  	s29 =	rddreg [dreg:$0xc];
	[sflag:s8] =	ssyncadd.s32 $0xFFFFD800  }
0x3d: {  	[spmem:s29] =	stream.linear.scatter [tilespmem:s6], [sflag:$0x7], $0x2800, $0x38;
	[tilespmem:$0x1D880] =	vst v63  }
0x3e: {  	_ =	swait.ge [sflag:s8], $0x2800  }
0x3f: {  	[sflag:s8] =	ssyncset.done $0x0  }
0x40: {  	s30 =	rddreg [dreg:$0xd];
	[sflag:s8] =	ssyncadd.s32 $0xFFFFD800  }
0x41: {  	[spmem:s30] =	stream.linear.scatter [tilespmem:s6], [sflag:$0x7], $0x2800, $0x38;
	[tilespmem:$0x1D880] =	vst v63  }
0x42: {  	_ =	swait.ge [sflag:s8], $0x2800  }
0x43: {  	[sflag:s8] =	ssyncset.done $0x0  }
0x44: {  	s23 =	simm.s32 @!p2 $0x13880;
	s24 =	rddreg [dreg:$0xe];
	[sflag:s8] =	ssyncadd.s32 $0xFFFFD800  }
0x45: {  	[spmem:s24] =	stream.linear.scatter @!p2 [tilespmem:s23], [sflag:$0x7], $0x2800, $0x38;
	[tilespmem:$0x1D880] =	vst v63  }
0x46: {  	s23 =	simm.s32 @!p2 $0x7  }
0x47: {  	_ =	swait.ge @!p2 [sflag:s23], $0x2800  }
0x48: {  	[sflag:s23] =	ssyncset.done @!p2 $0x0  }
0x49: {  	s24 =	rddreg [dreg:$0xf];
	[sflag:s23] =	ssyncadd.s32 @!p2 $0xFFFFD800;
	s23 =	simm.s32 @!p0 $0x13880  }
0x4a: {  	[spmem:s24] =	stream.linear.scatter @!p0 [tilespmem:s23], [sflag:$0x7], $0x2800, $0x38;
	[tilespmem:$0x1D880] =	vst v63  }
0x4b: {  	s23 =	simm.s32 @!p0 $0x7  }
0x4c: {  	_ =	swait.ge @!p0 [sflag:s23], $0x2800  }
0x4d: {  	[sflag:s23] =	ssyncset.done @!p0 $0x0  }
0x4e: {  	s24 =	rddreg [dreg:$0x10];
	[sflag:s23] =	ssyncadd.s32 @!p0 $0xFFFFD800;
	s23 =	simm.s32 @!p1 $0x13880  }
0x4f: {  	[spmem:s24] =	stream.linear.scatter @!p1 [tilespmem:s23], [sflag:$0x7], $0x2800, $0x38;
	[tilespmem:$0x1D880] =	vst v63  }
0x50: {  	s23 =	simm.s32 @!p1 $0x7  }
0x51: {  	_ =	swait.ge @!p1 [sflag:s23], $0x2800  }
0x52: {  	[sflag:s23] =	ssyncset.done @!p1 $0x0  }
0x53: {  	s24 =	simm.s32 $0x0;
	[sflag:s23] =	ssyncadd.s32 @!p1 $0xFFFFD800;
	s23 =	simm.s32 $0x40  }
.LBB2_2:
0x54: {  	p3 =	sne.s32 s23, $0x9C00;
	[tilespmem:s24+$0x1B170] =	vst v0;
	s24 =	smov.u32 s23;
	s23 =	sadd.s32 $0x40, s23  }
.Ltmp0:
0x55: {  	(pc) =	sbr.rel @p3 .LBB2_2-.Ltmp0, $2  }
0x56: {  	_ =	sdelay $0x2  }
0x57: {  	s24 =	sshra.s32 s24, $0x2  }
0x58: {  	[tilespmem:s24+$0x1B170] =	vst v0;
	s23 =	simm.s32 $0x0  }
0x59: {  	[tilespmem:s6], [sflag:$0x1] =	stream.linear.gather [hbm4b:s15+s23], $0x2800, $0x38;
	[tilespmem:$0x1D880] =	vst v63  }
0x5a: {  	_ = 	snop  }
0x5b: {  	[tilespmem:s9], [sflag:$0x1] =	stream.linear.gather [hbm4b:s17+s23], $0x50, $0x38;
	[tilespmem:$0x1D880] =	vst v63  }
0x5c: {  	s26 =	rddreg [dreg:$0x12]  }
0x5d: {  	[tilespmem:s10], [sflag:$0x2] =	stream.linear.gather [hbm4b:s26+s23], $0x2800, $0x38;
	[tilespmem:$0x1D880] =	vst v63  }
0x5e: {  	s30 =	rddreg [dreg:$0x1a]  }
0x5f: {  	[tilespmem:s11], [sflag:$0x2] =	stream.linear.gather [hbm4b:s30+s23], $0x50, $0x38;
	[tilespmem:$0x1D880] =	vst v63  }
0x60: {  	s26 =	rddreg [dreg:$0x1b]  }
0x61: {  	[tilespmem:s12], [sflag:$0x3] =	stream.linear.gather [hbm4b:s26+s23], $0x2800, $0x38;
	[tilespmem:$0x1D880] =	vst v63  }
0x62: {  	s30 =	rddreg [dreg:$0x1c]  }
0x63: {  	[tilespmem:s13], [sflag:$0x3] =	stream.linear.gather [hbm4b:s30+s23], $0x50, $0x38;
	[tilespmem:$0x1D880] =	vst v63  }
0x64: {  	[bflag:$0x0] =	sbarrier.arrive $0xFFFF  }
0x65: {  	_ =	swait.ge [sflag:s14], $0x2800  }
0x66: {  	[sflag:s14] =	ssyncset.done $0x0  }
0x67: {  	[sflag:s14] =	ssyncadd.s32 $0xFFFFD800  }
0x68: {  	_ =	swait.ge [sflag:s14], $0x50  }
0x69: {  	[sflag:s14] =	ssyncset.done $0x0  }
0x6a: {  	[sflag:s14] =	ssyncadd.s32 $0xFFFFFFB0  }
0x6b: {  	v2 =	vld [tilespmem:$0x1B080];
	_ =	sdelay $0x7  }
0x6c: {  	[tilespmem:v2+s16+$0x0] =	vst.idx.add.f32.msk $0xffff, v1  }
0x6d: {  	v2 =	vld [tilespmem:$0x1B090];
	_ =	sdelay $0x7  }
0x6e: {  	[tilespmem:v2+s16+$0x0] =	vst.idx.add.f32.msk $0xffff, v1  }
0x6f: {  	v2 =	vld [tilespmem:$0x1B0A0];
	_ =	sdelay $0x7  }
0x70: {  	[tilespmem:v2+s16+$0x0] =	vst.idx.add.f32.msk $0xffff, v1  }
0x71: {  	v2 =	vld [tilespmem:$0x1B0B0];
	_ =	sdelay $0x7  }
0x72: {  	[tilespmem:v2+s16+$0x0] =	vst.idx.add.f32.msk $0xffff, v1  }
0x73: {  	v2 =	vld [tilespmem:$0x1B0C0];
	_ =	sdelay $0x4  }
0x74: {  	s24 =	rddreg [dreg:$0x18]  }
0x75: {  	s26 =	rddreg [dreg:$0x17]  }
0x76: {  	s28 =	rddreg [dreg:$0x16]  }
0x77: {  	s29 =	rddreg [dreg:$0x15];
	[tilespmem:v2+s16+$0x0] =	vst.idx.add.f32.msk $0xffff, v1  }
0x78: {  	[spmem:s4] =	stream.indirect.scatter.add.f32 [tilespmem:s6], [sflag:$0x4], $0x80, s9, s18, $0xb8;
	[tilespmem:$0x1D880] =	vst v63  }
.LBB2_4:
0x79: {  	_ =	swait.ge [sflag:s19], $0x2800  }
0x7a: {  	s30 =	sshrl.u32 s24, $0x3;
	[sflag:s19] =	ssyncset.done $0x0  }
0x7b: {  	s30 =	sadd.s32 s0, s30;
	[sflag:s19] =	ssyncadd.s32 $0xFFFFD800  }
0x7c: {  	[tilespmem:s6], [sflag:$0x1] =	stream.linear.gather [hbm4b:s30+s5], $0x2800, $0x38;
	[tilespmem:$0x1D880] =	vst v63  }
0x7d: {  	s30 =	sshrl.u32 s26, $0x3  }
0x7e: {  	s30 =	sadd.s32 s1, s30  }
0x7f: {  	[tilespmem:s9], [sflag:$0x1] =	stream.linear.gather [hbm4b:s30+s5], $0x50, $0x38;
	[tilespmem:$0x1D880] =	vst v63  }
0x80: {  	_ =	swait.ge [sflag:s20], $0x2800  }
0x81: {  	[sflag:s20] =	ssyncset.done $0x0  }
0x82: {  	[sflag:s20] =	ssyncadd.s32 $0xFFFFD800  }
0x83: {  	_ =	swait.ge [sflag:s20], $0x50  }
0x84: {  	[sflag:s20] =	ssyncset.done $0x0  }
0x85: {  	[sflag:s20] =	ssyncadd.s32 $0xFFFFFFB0  }
0x86: {  	v2 =	vld [tilespmem:$0x1B0D0];
	_ =	sdelay $0x7  }
0x87: {  	[tilespmem:v2+s16+$0x0] =	vst.idx.add.f32.msk $0xffff, v1  }
0x88: {  	v2 =	vld [tilespmem:$0x1B0E0];
	_ =	sdelay $0x7  }
0x89: {  	[tilespmem:v2+s16+$0x0] =	vst.idx.add.f32.msk $0xffff, v1  }
0x8a: {  	v2 =	vld [tilespmem:$0x1B0F0];
	_ =	sdelay $0x7  }
0x8b: {  	[tilespmem:v2+s16+$0x0] =	vst.idx.add.f32.msk $0xffff, v1  }
0x8c: {  	v2 =	vld [tilespmem:$0x1B100];
	_ =	sdelay $0x7  }
0x8d: {  	[tilespmem:v2+s16+$0x0] =	vst.idx.add.f32.msk $0xffff, v1  }
0x8e: {  	v2 =	vld [tilespmem:$0x1B110];
	_ =	sdelay $0x7  }
0x8f: {  	[tilespmem:v2+s16+$0x0] =	vst.idx.add.f32.msk $0xffff, v1  }
0x90: {  	[spmem:s4] =	stream.indirect.scatter.add.f32 [tilespmem:s10], [sflag:$0x5], $0x80, s11, s18, $0xb8;
	[tilespmem:$0x1D880] =	vst v63  }
0x91: {  	_ =	swait.ge [sflag:s21], $0x2800  }
0x92: {  	[sflag:s21] =	ssyncset.done $0x0  }
0x93: {  	s30 =	rddreg [dreg:$0x7];
	[sflag:s21] =	ssyncadd.s32 $0xFFFFD800  }
0x94: {  	[tilespmem:s10], [sflag:$0x2] =	stream.linear.gather [hbm4b:s28+s5], $0x2800, $0x38;
	[tilespmem:$0x1D880] =	vst v63  }
0x95: {  	s30 =	sadd.s32 s23, s30  }
0x96: {  	[tilespmem:s11], [sflag:$0x2] =	stream.linear.gather [hbm4b:s30+s5], $0x50, $0x38;
	[tilespmem:$0x1D880] =	vst v63  }
0x97: {  	_ =	swait.ge [sflag:s22], $0x2800  }
0x98: {  	[sflag:s22] =	ssyncset.done $0x0  }
0x99: {  	[sflag:s22] =	ssyncadd.s32 $0xFFFFD800  }
0x9a: {  	_ =	swait.ge [sflag:s22], $0x50  }
0x9b: {  	[sflag:s22] =	ssyncset.done $0x0  }
0x9c: {  	[sflag:s22] =	ssyncadd.s32 $0xFFFFFFB0  }
0x9d: {  	v2 =	vld [tilespmem:$0x1B120];
	_ =	sdelay $0x7  }
0x9e: {  	[tilespmem:v2+s16+$0x0] =	vst.idx.add.f32.msk $0xffff, v1  }
0x9f: {  	v2 =	vld [tilespmem:$0x1B130];
	_ =	sdelay $0x7  }
0xa0: {  	[tilespmem:v2+s16+$0x0] =	vst.idx.add.f32.msk $0xffff, v1  }
0xa1: {  	v2 =	vld [tilespmem:$0x1B140];
	_ =	sdelay $0x7  }
0xa2: {  	[tilespmem:v2+s16+$0x0] =	vst.idx.add.f32.msk $0xffff, v1  }
0xa3: {  	v2 =	vld [tilespmem:$0x1B150];
	_ =	sdelay $0x7  }
0xa4: {  	[tilespmem:v2+s16+$0x0] =	vst.idx.add.f32.msk $0xffff, v1  }
0xa5: {  	v2 =	vld [tilespmem:$0x1B160];
	_ =	sdelay $0x7  }
0xa6: {  	[tilespmem:v2+s16+$0x0] =	vst.idx.add.f32.msk $0xffff, v1  }
0xa7: {  	[spmem:s4] =	stream.indirect.scatter.add.f32 [tilespmem:s12], [sflag:$0x6], $0x80, s13, s18, $0xb8;
	[tilespmem:$0x1D880] =	vst v63  }
0xa8: {  	_ =	swait.ge [sflag:s7], $0x2800  }
0xa9: {  	[sflag:s7] =	ssyncset.done $0x0  }
0xaa: {  	s30 =	rddreg [dreg:$0x6];
	[sflag:s7] =	ssyncadd.s32 $0xFFFFD800  }
0xab: {  	[tilespmem:s12], [sflag:$0x3] =	stream.linear.gather [hbm4b:s29+s5], $0x2800, $0x38;
	[tilespmem:$0x1D880] =	vst v63  }
0xac: {  	s30 =	sadd.s32 s23, s30  }
0xad: {  	[tilespmem:s13], [sflag:$0x3] =	stream.linear.gather [hbm4b:s30+s5], $0x50, $0x38;
	[tilespmem:$0x1D880] =	vst v63  }
0xae: {  	_ =	swait.ge [sflag:s14], $0x2800  }
0xaf: {  	[sflag:s14] =	ssyncset.done $0x0  }
0xb0: {  	[sflag:s14] =	ssyncadd.s32 $0xFFFFD800  }
0xb1: {  	_ =	swait.ge [sflag:s14], $0x50  }
0xb2: {  	[sflag:s14] =	ssyncset.done $0x0  }
0xb3: {  	[sflag:s14] =	ssyncadd.s32 $0xFFFFFFB0  }
0xb4: {  	v2 =	vld [tilespmem:$0x1B080];
	_ =	sdelay $0x7  }
0xb5: {  	[tilespmem:v2+s16+$0x0] =	vst.idx.add.f32.msk $0xffff, v1  }
0xb6: {  	v2 =	vld [tilespmem:$0x1B090];
	_ =	sdelay $0x7  }
0xb7: {  	[tilespmem:v2+s16+$0x0] =	vst.idx.add.f32.msk $0xffff, v1  }
0xb8: {  	v2 =	vld [tilespmem:$0x1B0A0];
	_ =	sdelay $0x7  }
0xb9: {  	[tilespmem:v2+s16+$0x0] =	vst.idx.add.f32.msk $0xffff, v1  }
0xba: {  	v2 =	vld [tilespmem:$0x1B0B0];
	_ =	sdelay $0x7  }
0xbb: {  	[tilespmem:v2+s16+$0x0] =	vst.idx.add.f32.msk $0xffff, v1  }
0xbc: {  	v2 =	vld [tilespmem:$0x1B0C0];
	_ =	sdelay $0x3  }
0xbd: {  	p3 =	sne.s32 s23, $0x492  }
.Ltmp1:
0xbe: {  	_ = 	snop;
	(pc) =	sbr.rel @p3 .LBB2_4-.Ltmp1, $4  }
0xbf: {  	_ = 	snop  }
0xc0: {  	s24 =	sadd.s32 $0x7800, s24;
	s26 =	sadd.s32 $0xF0, s26  }
0xc1: {  	s28 =	sadd.s32 $0xF00, s28;
	s23 =	sadd.s32 $0x1E, s23;
	s29 =	sadd.s32 $0xF00, s29;
	[tilespmem:v2+s16+$0x0] =	vst.idx.add.f32.msk $0xffff, v1  }
0xc2: {  	[spmem:s4] =	stream.indirect.scatter.add.f32 [tilespmem:s6], [sflag:$0x4], $0x80, s9, s18, $0xb8;
	[tilespmem:$0x1D880] =	vst v63  }
0xc3: {  	_ =	swait.ge [sflag:s19], $0x2800  }
0xc4: {  	[sflag:s19] =	ssyncset.done $0x0  }
0xc5: {  	s23 =	rddreg [dreg:$0x1d];
	[sflag:s19] =	ssyncadd.s32 $0xFFFFD800  }
0xc6: {  	[tilespmem:s6], [sflag:$0x1] =	stream.linear.gather [hbm4b:s23+s5], $0x2800, $0x38;
	[tilespmem:$0x1D880] =	vst v63  }
0xc7: {  	_ = 	snop  }
0xc8: {  	[tilespmem:s9], [sflag:$0x1] =	stream.linear.gather [hbm4b:s31+s5], $0x50, $0x38;
	[tilespmem:$0x1D880] =	vst v63  }
0xc9: {  	_ =	swait.ge [sflag:s20], $0x2800  }
0xca: {  	[sflag:s20] =	ssyncset.done $0x0  }
0xcb: {  	[sflag:s20] =	ssyncadd.s32 $0xFFFFD800  }
0xcc: {  	_ =	swait.ge [sflag:s20], $0x50  }
0xcd: {  	[sflag:s20] =	ssyncset.done $0x0  }
0xce: {  	[sflag:s20] =	ssyncadd.s32 $0xFFFFFFB0  }
0xcf: {  	v2 =	vld [tilespmem:$0x1B0D0];
	_ =	sdelay $0x7  }
0xd0: {  	[tilespmem:v2+s16+$0x0] =	vst.idx.add.f32.msk $0xffff, v1  }
0xd1: {  	v2 =	vld [tilespmem:$0x1B0E0];
	_ =	sdelay $0x7  }
0xd2: {  	[tilespmem:v2+s16+$0x0] =	vst.idx.add.f32.msk $0xffff, v1  }
0xd3: {  	v2 =	vld [tilespmem:$0x1B0F0];
	_ =	sdelay $0x7  }
0xd4: {  	[tilespmem:v2+s16+$0x0] =	vst.idx.add.f32.msk $0xffff, v1  }
0xd5: {  	v2 =	vld [tilespmem:$0x1B100];
	_ =	sdelay $0x7  }
0xd6: {  	[tilespmem:v2+s16+$0x0] =	vst.idx.add.f32.msk $0xffff, v1  }
0xd7: {  	v2 =	vld [tilespmem:$0x1B110];
	_ =	sdelay $0x7  }
0xd8: {  	[tilespmem:v2+s16+$0x0] =	vst.idx.add.f32.msk $0xffff, v1  }
0xd9: {  	[spmem:s4] =	stream.indirect.scatter.add.f32 [tilespmem:s10], [sflag:$0x5], $0x80, s11, s18, $0xb8;
	[tilespmem:$0x1D880] =	vst v63  }
0xda: {  	_ =	swait.ge [sflag:s21], $0x2800  }
0xdb: {  	[sflag:s21] =	ssyncset.done $0x0  }
0xdc: {  	[sflag:s21] =	ssyncadd.s32 $0xFFFFD800  }
0xdd: {  	[tilespmem:s10], [sflag:$0x2] =	stream.linear.gather [hbm4b:s2+s5], $0x2800, $0x38;
	[tilespmem:$0x1D880] =	vst v63  }
0xde: {  	_ = 	snop  }
0xdf: {  	[tilespmem:s11], [sflag:$0x2] =	stream.linear.gather [hbm4b:s3+s5], $0x50, $0x38;
	[tilespmem:$0x1D880] =	vst v63  }
0xe0: {  	_ =	swait.ge [sflag:s22], $0x2800  }
0xe1: {  	[sflag:s22] =	ssyncset.done $0x0  }
0xe2: {  	[sflag:s22] =	ssyncadd.s32 $0xFFFFD800  }
0xe3: {  	_ =	swait.ge [sflag:s22], $0x50  }
0xe4: {  	[sflag:s22] =	ssyncset.done $0x0  }
0xe5: {  	[sflag:s22] =	ssyncadd.s32 $0xFFFFFFB0  }
0xe6: {  	v2 =	vld [tilespmem:$0x1B120];
	_ =	sdelay $0x7  }
0xe7: {  	[tilespmem:v2+s16+$0x0] =	vst.idx.add.f32.msk $0xffff, v1  }
0xe8: {  	v2 =	vld [tilespmem:$0x1B130];
	_ =	sdelay $0x7  }
0xe9: {  	[tilespmem:v2+s16+$0x0] =	vst.idx.add.f32.msk $0xffff, v1  }
0xea: {  	v2 =	vld [tilespmem:$0x1B140];
	_ =	sdelay $0x7  }
0xeb: {  	[tilespmem:v2+s16+$0x0] =	vst.idx.add.f32.msk $0xffff, v1  }
0xec: {  	v2 =	vld [tilespmem:$0x1B150];
	_ =	sdelay $0x7  }
0xed: {  	[tilespmem:v2+s16+$0x0] =	vst.idx.add.f32.msk $0xffff, v1  }
0xee: {  	v2 =	vld [tilespmem:$0x1B160];
	_ =	sdelay $0x7  }
0xef: {  	[tilespmem:v2+s16+$0x0] =	vst.idx.add.f32.msk $0xffff, v1  }
0xf0: {  	[spmem:s4] =	stream.indirect.scatter.add.f32 [tilespmem:s12], [sflag:$0x6], $0x80, s13, s18, $0xb8;
	[tilespmem:$0x1D880] =	vst v63  }
0xf1: {  	_ =	swait.ge [sflag:s14], $0x2800  }
0xf2: {  	[sflag:s14] =	ssyncset.done $0x0  }
0xf3: {  	[sflag:s14] =	ssyncadd.s32 $0xFFFFD800  }
0xf4: {  	_ =	swait.ge [sflag:s14], $0x50  }
0xf5: {  	[sflag:s14] =	ssyncset.done $0x0  }
0xf6: {  	[sflag:s14] =	ssyncadd.s32 $0xFFFFFFB0  }
0xf7: {  	v2 =	vld [tilespmem:$0x1B080];
	_ =	sdelay $0x7  }
0xf8: {  	[tilespmem:v2+s16+$0x0] =	vst.idx.add.f32.msk $0xffff, v1  }
0xf9: {  	v2 =	vld [tilespmem:$0x1B090];
	_ =	sdelay $0x7  }
0xfa: {  	[tilespmem:v2+s16+$0x0] =	vst.idx.add.f32.msk $0xffff, v1  }
0xfb: {  	v2 =	vld [tilespmem:$0x1B0A0];
	_ =	sdelay $0x7  }
0xfc: {  	[tilespmem:v2+s16+$0x0] =	vst.idx.add.f32.msk $0xffff, v1  }
0xfd: {  	v2 =	vld [tilespmem:$0x1B0B0];
	_ =	sdelay $0x7  }
0xfe: {  	[tilespmem:v2+s16+$0x0] =	vst.idx.add.f32.msk $0xffff, v1  }
0xff: {  	v2 =	vld [tilespmem:$0x1B0C0];
	_ =	sdelay $0x7  }
0x100: {  	[tilespmem:v2+s16+$0x0] =	vst.idx.add.f32.msk $0xffff, v1  }
0x101: {  	[spmem:s4] =	stream.indirect.scatter.add.f32 [tilespmem:s6], [sflag:$0x4], $0x80, s9, s18, $0xb8;
	[tilespmem:$0x1D880] =	vst v63  }
0x102: {  	_ =	swait.ge [sflag:s20], $0x2800  }
0x103: {  	[sflag:s20] =	ssyncset.done $0x0  }
0x104: {  	[sflag:s20] =	ssyncadd.s32 $0xFFFFD800  }
0x105: {  	_ =	swait.ge [sflag:s20], $0x50  }
0x106: {  	[sflag:s20] =	ssyncset.done $0x0  }
0x107: {  	[sflag:s20] =	ssyncadd.s32 $0xFFFFFFB0  }
0x108: {  	v2 =	vld [tilespmem:$0x1B0D0];
	_ =	sdelay $0x7  }
0x109: {  	[tilespmem:v2+s16+$0x0] =	vst.idx.add.f32.msk $0xffff, v1  }
0x10a: {  	v2 =	vld [tilespmem:$0x1B0E0];
	_ =	sdelay $0x7  }
0x10b: {  	[tilespmem:v2+s16+$0x0] =	vst.idx.add.f32.msk $0xffff, v1  }
0x10c: {  	v2 =	vld [tilespmem:$0x1B0F0];
	_ =	sdelay $0x7  }
0x10d: {  	[tilespmem:v2+s16+$0x0] =	vst.idx.add.f32.msk $0xffff, v1  }
0x10e: {  	v2 =	vld [tilespmem:$0x1B100];
	_ =	sdelay $0x7  }
0x10f: {  	[tilespmem:v2+s16+$0x0] =	vst.idx.add.f32.msk $0xffff, v1  }
0x110: {  	v2 =	vld [tilespmem:$0x1B110];
	_ =	sdelay $0x7  }
0x111: {  	[tilespmem:v2+s16+$0x0] =	vst.idx.add.f32.msk $0xffff, v1  }
0x112: {  	[spmem:s4] =	stream.indirect.scatter.add.f32 [tilespmem:s10], [sflag:$0x5], $0x80, s11, s18, $0xb8;
	[tilespmem:$0x1D880] =	vst v63  }
0x113: {  	_ =	swait.ge [sflag:s19], $0x2800  }
0x114: {  	[sflag:s19] =	ssyncset.done $0x0  }
0x115: {  	[sflag:s19] =	ssyncadd.s32 $0xFFFFD800  }
0x116: {  	_ =	swait.ge [sflag:s21], $0x2800  }
0x117: {  	[sflag:s21] =	ssyncset.done $0x0  }
0x118: {  	[sflag:s21] =	ssyncadd.s32 $0xFFFFD800  }
0x119: {  	_ =	swait.ge [sflag:s7], $0x2800  }
0x11a: {  	[sflag:s7] =	ssyncset.done $0x0  }
0x11b: {  	s28 =	rddreg [dreg:$0x11];
	[sflag:s7] =	ssyncadd.s32 $0xFFFFD800  }
0x11c: {  	[hbm4b:s28+s5] =	stream.linear.scatter [tilespmem:s16], [sflag:$0x7], $0x2710, $0x38;
	[tilespmem:$0x1D880] =	vst v63  }
0x11d: {  	_ =	swait.ge [sflag:s8], $0x2710  }
0x11e: {  	[sflag:s8] =	ssyncset.done $0x0  }
0x11f: {  	[sflag:s8] =	ssyncadd.s32 $0xFFFFD8F0  }
0x120: {  	s29 =	stileid.u32;
	[bflag:$0x0] =	sbarrier.arrive $0xFFFF  }
0x121: {  	s23 =	sshll.u32 s29, $0x6;
	s24 =	rddreg [dreg:$0x13]  }
0x122: {  	s23 =	sor.u32 $0x1C07, s23;
	s26 =	rddreg [dreg:$0x19]  }
0x123: {  	[hbm:s24], [sflag:s23] =	dma.local [spmem:s26], $0x2710  }
0x124: {  	_ =	swait.ge [sflag:s8], $0x2710  }
0x125: {  	s25 =	sadd.s32 $0x1, s25;
	s30 =	rddreg [dreg:$0x14]  }
0x126: {  	p3 =	sne.s32 s25, s30  }
.Ltmp2:
0x127: {  	_ = 	snop;
	(pc) =	sbr.rel @p3 .LBB2_1-.Ltmp2, $3  }
0x128: {  	_ =	sdelay $0x1  }
0x129: {  	[sflag:s8] =	ssyncset.done $0x0  }
0x12a: {  	[sflag:s8] =	ssyncadd.s32 $0xFFFFD8F0  }
0x12b: {  	_ =	sfence.sel $0x180000  }
0x12c: {  	[bflag:$0x0] =	sbarrier.arrive $0xFFFF  }
0x12d: {  	_ =	strace $0x90000047  }
0x12e: {  	s0 =	stileid.u32;
	[bflag:$0x2] =	sbarrier.arrive $0xFFFF  }
0x12f: {  	p0 =	sne.s32 s0, $0x0;
	s0 =	rddreg [dreg:$0x5]  }
0x130: {  	s0 =	sadd.s32 @!p0 $0x100000, s0  }
0x131: {  	[sflag:s0] =	ssyncadd.tile.s32 @!p0 $0x1;
	_ =	shalt  }
.Lfunc_end2:
_tile_overlayer_lowered:
.L_overlay_start_2:
0x132: {  	(tag) =	ssettag $0x2  }
0x133: {  	s0 =	rddreg [dreg:$0x0];
	s2 =	stileid.u32  }
0x134: {  	s1 =	rddreg [dreg:$0x1];
	p0 =	sne.s32 s2, $0x0  }
0x135: {  	s3 =	rddreg [dreg:$0x2];
	[bflag:$0x3] =	sbarrier.arrive $0xFFFF;
	s2 =	simm.s32 @!p0 $0x1C07  }
0x136: {  	[timem:s3], [sflag:s2] =	dma.local @!p0 [hbm:s0], s1  }
0x137: {  	s0 =	simm.s32 @!p0 $0x7  }
0x138: {  	_ =	swait.ge @!p0 [sflag:s0], s1  }
0x139: {  	s1 =	ssub.s32 @!p0 $0x0, s1;
	[sflag:s0] =	ssyncset.done @!p0 $0x0  }
0x13a: {  	[sflag:s0] =	ssyncadd.s32 @!p0 s1  }
0x13b: {  	[bflag:$0x3] =	sbarrier.arrive $0xFFFF  }
0x13c: {  	_ =	shalt  }

</sc_bundles>
